<compile_context>
chip_gen: v7x
topology: tpu7x:2x2x1
jax: 0.10.2.dev20260603
libtpu: 0.0.44.dev20260713+nightly
codegen_flags: <defaults>
</compile_context>

<pallas_src>
import functools

import jax
import jax.numpy as jnp
from jax import lax
from jax.experimental import pallas as pl
from jax.experimental.pallas import tpu as pltpu
from jax.experimental.pallas import tpu_sc as plsc

N = 8192
NC = 2
NS = 16
NW = NC * NS
NTC = 6144
NSC = N - NTC
XPW = NSC // NW
XB = 4
L = 32
W = 16
NYV = N // L
NP = N // 2

BX = 256
NXB = NTC // BX

_mesh = plsc.VectorSubcoreMesh(core_axis_name="c", subcore_axis_name="s")


@functools.partial(
    pl.kernel,
    mesh=_mesh,
    compiler_params=pltpu.CompilerParams(needs_layout_passes=False),
    out_type=[
        jax.ShapeDtypeStruct((NW, XPW * W), jnp.int32),
        jax.ShapeDtypeStruct((NW, NP), jnp.int32),
    ],
    scratch_types=[
        pltpu.VMEM((3, NP), jnp.int32),
        pltpu.VMEM((XPW * 3,), jnp.int32),
        pltpu.VMEM((NP,), jnp.int32),
        pltpu.VMEM((XPW * W,), jnp.int32),
    ],
)
def _chamfer_sc(x_hbm, y_hbm, cx_out, cy_out, y_v, x_v, cy_v, cxa_v):
    cid = lax.axis_index("c")
    sid = lax.axis_index("s")
    wid = sid * NC + cid

    pltpu.sync_copy(y_hbm, y_v)
    pltpu.sync_copy(x_hbm.at[wid], x_v)

    infv = jnp.full((L,), jnp.inf, jnp.bfloat16)
    infw = plsc.bitcast(infv, jnp.int32)

    def init_body(j, carry):
        cy_v[pl.ds(j * W, W)] = infw
        return carry

    lax.fori_loop(0, NYV, init_body, 0)

    def outer(ib, carry):
        xv = [x_v[pl.ds(ib * 48 + 16 * v, 16)] for v in range(3)]
        for sb in range(16 // XB):
            def bcast(k, c):
                flat = 3 * (sb * XB + k) + c
                return plsc.bitcast(
                    jnp.full((W,), xv[flat // 16][flat % 16], jnp.int32),
                    jnp.bfloat16)
            xs = [[bcast(k, c) for c in range(3)] for k in range(XB)]

            def inner(j, accs):
                y0 = plsc.bitcast(y_v[0, pl.ds(j * W, W)], jnp.bfloat16)
                y1 = plsc.bitcast(y_v[1, pl.ds(j * W, W)], jnp.bfloat16)
                y2 = plsc.bitcast(y_v[2, pl.ds(j * W, W)], jnp.bfloat16)
                ds = []
                naccs = []
                for k in range(XB):
                    d = (jnp.abs(y0 - xs[k][0])
                         + jnp.abs(y1 - xs[k][1])
                         + jnp.abs(y2 - xs[k][2]))
                    ds.append(d)
                    naccs.append(jnp.minimum(accs[k], d))
                m = jnp.minimum(jnp.minimum(ds[0], ds[1]),
                                jnp.minimum(ds[2], ds[3]))
                cyv = plsc.bitcast(cy_v[pl.ds(j * W, W)], jnp.bfloat16)
                cy_v[pl.ds(j * W, W)] = plsc.bitcast(
                    jnp.minimum(cyv, m), jnp.int32)
                return tuple(naccs)

            accs = lax.fori_loop(0, NYV, inner,
                                 tuple(infv for _ in range(XB)))
            for k in range(XB):
                p = ib * 16 + sb * XB + k
                cxa_v[pl.ds(p * W, W)] = plsc.bitcast(accs[k], jnp.int32)
        return carry

    lax.fori_loop(0, XPW // 16, outer, 0)

    pltpu.sync_copy(cxa_v, cx_out.at[wid])
    pltpu.sync_copy(cy_v, cy_out.at[wid])


def _tc_body(p1_ref, p2_ref, y_ref, cxs_ref, cyf_ref, cy_ref):
    j = pl.program_id(0)
    xs = p1_ref[0] + p2_ref[0]
    x0 = xs[:, 0:1].astype(jnp.bfloat16)
    x1 = xs[:, 1:2].astype(jnp.bfloat16)
    x2 = xs[:, 2:3].astype(jnp.bfloat16)
    y0 = y_ref[0, :][None, :]
    y1 = y_ref[1, :][None, :]
    y2 = y_ref[2, :][None, :]
    d = (jnp.abs(x0 - y0) + jnp.abs(x1 - y1) + jnp.abs(x2 - y2))
    bsum = jnp.sum(jnp.min(d, axis=1).astype(jnp.float32))

    @pl.when(j == 0)
    def _():
        cxs_ref[0, 0] = bsum

    @pl.when(j > 0)
    def _():
        cxs_ref[0, 0] = cxs_ref[0, 0] + bsum

    m = d[0:8, :]
    for g in range(1, BX // 8):
        m = jnp.minimum(m, d[8 * g:8 * (g + 1), :])

    mf = m.astype(jnp.float32)

    @pl.when(j == 0)
    def _():
        cy_ref[...] = mf

    @pl.when(j > 0)
    def _():
        cy_ref[...] = jnp.minimum(cy_ref[...], mf)

    @pl.when(j == NXB - 1)
    def _():
        cyf_ref[...] = jnp.min(cy_ref[...], axis=0)


_chamfer_tc = pl.pallas_call(
    _tc_body,
    grid=(NXB,),
    in_specs=[
        pl.BlockSpec((1, BX, 3), lambda j: (0, j, 0)),
        pl.BlockSpec((1, BX, 3), lambda j: (0, j, 0)),
        pl.BlockSpec((3, N), lambda j: (0, 0)),
    ],
    out_specs=[
        pl.BlockSpec((1, 1), lambda j: (0, 0), memory_space=pltpu.SMEM),
        pl.BlockSpec((N,), lambda j: (0,)),
        pl.BlockSpec((8, N), lambda j: (0, 0)),
    ],
    out_shape=[
        jax.ShapeDtypeStruct((1, 1), jnp.float32),
        jax.ShapeDtypeStruct((N,), jnp.float32),
        jax.ShapeDtypeStruct((8, N), jnp.float32),
    ],
)


def _round_bf16_bits(u):
    u16 = jnp.uint32(16)
    r = lax.shift_right_logical(u, u16) & jnp.uint32(1)
    return lax.shift_right_logical(u + jnp.uint32(0x7FFF) + r, u16)


def _lo_f32(w):
    return lax.bitcast_convert_type(w << jnp.int32(16), jnp.float32)


def _hi_f32(w):
    return lax.bitcast_convert_type(w & jnp.int32(-65536), jnp.float32)


def kernel(pc1, est_flow, pc2):
    y = pc2[0]
    ybt = y.astype(jnp.bfloat16).T

    ylo = lax.bitcast_convert_type(ybt[:, :NP], jnp.uint16).astype(jnp.uint32)
    yhi = lax.bitcast_convert_type(ybt[:, NP:], jnp.uint16).astype(jnp.uint32)
    yr = lax.bitcast_convert_type(ylo | (yhi << jnp.uint32(16)),
                                 jnp.int32)

    xsc = (pc1[0, NTC:, :] + est_flow[0, NTC:, :]).reshape(NSC * 3)
    xb = _round_bf16_bits(lax.bitcast_convert_type(xsc, jnp.uint32))
    xr = lax.bitcast_convert_type(
        xb | (xb << jnp.uint32(16)), jnp.int32).reshape(NW, XPW * 3)

    cx_vecs, cy_sc = _chamfer_sc(xr, yr)
    cxs_tc, cyt, _cy8 = _chamfer_tc(pc1, est_flow, ybt)

    cw = cx_vecs.reshape(NSC, W)
    cx_sc = jnp.min(jnp.minimum(_lo_f32(cw), _hi_f32(cw)), axis=1)
    cham_x_sum = jnp.sum(cx_sc) + cxs_tc[0, 0]

    lo_m = jnp.min(_lo_f32(cy_sc), axis=0)
    hi_m = jnp.min(_hi_f32(cy_sc), axis=0)
    cham_y_sum = (jnp.sum(jnp.minimum(lo_m, cyt[:NP]))
                  + jnp.sum(jnp.minimum(hi_m, cyt[NP:])))
    loss = (cham_x_sum + cham_y_sum) / N
    return (loss, jnp.zeros((1, N), jnp.float32))

# --- scband reference (transcript-rebuilt; emitter-appended) ---
"""Pipeline reference for scband-vachamfer-loss-80831284511318 (READ-ONLY COPY).

The authoritative reference and input builder live on the scoring server;
editing this copy changes nothing except your own understanding.
"""

import jax, jax.numpy as jnp
import numpy as np

NN_WEIGHT = 1.0
FREE_WEIGHT = 0.0
BOTH_WAYS = True
CHUNK = 512


def setup_inputs(seed: int = 0):
    key = jax.random.key(seed)
    k1, k2, k3 = jax.random.split(key, 3)
    pc1 = jax.random.normal(k1, (1, 8192, 3), dtype=jnp.float32) * 10.0
    est_flow = jax.random.normal(k2, (1, 8192, 3), dtype=jnp.float32) * 0.5
    pc2 = jax.random.normal(k3, (1, 8192, 3), dtype=jnp.float32) * 10.0
    return {"pc1": pc1, "est_flow": est_flow, "pc2": pc2}


def _chamfer_l1(x, y):
    # x: [N1, 3], y: [N2, 3]; pytorch3d knn_points(K=1, norm=1) -> L1 nearest-neighbor distances
    N1 = x.shape[0]
    xc = x.reshape(-1, CHUNK, 3)

    def body(cy_min, xch):
        d = jnp.sum(jnp.abs(xch[:, None, :] - y[None, :, :]), axis=-1)  # [CHUNK, N2]
        cx = jnp.min(d, axis=1)                                          # [CHUNK]
        cy_min = jnp.minimum(cy_min, jnp.min(d, axis=0))                 # [N2]
        return cy_min, cx

    init = jnp.full((y.shape[0],), jnp.inf, dtype=x.dtype)
    cham_y, cxs = jax.lax.scan(body, init, xc)
    return cxs.reshape(N1), cham_y


def reference(pc1, est_flow, pc2):
    # forward of VAChamferLoss with free_weight=0, ch_normals_K=0, both_ways=True
    x = (pc1 + est_flow)[0]
    y = pc2[0]
    cham_x, cham_y = _chamfer_l1(x, y)
    cham_x = cham_x[None, :]  # [1, N1]
    if BOTH_WAYS:
        cham_y_mean = cham_y[None, :].mean()
    else:
        cham_y_mean = jnp.float32(0.0)
    # free_weight == 0 -> freespace_loss = zeros_like(cham_x)
    freespace_loss = jnp.zeros_like(cham_x)
    chamf_loss = NN_WEIGHT * (cham_x.mean() + cham_y_mean) + FREE_WEIGHT * freespace_loss.mean()
    return (chamf_loss, freespace_loss)

if __name__ == "__main__":
    import jax
    _d = setup_inputs()
    print(jax.jit(kernel)(*tuple(_d.values())))

</pallas_src>

<mosaic_0001>
#map = affine_map<(d0, d1) -> (0, 0)>
module attributes {stable_mosaic.version = 14 : i64} {
  func.func @_chamfer_sc(%arg0: i32, %arg1: i32, %arg2: memref<32x192xi32, #tpu.memory_space<hbm>>, %arg3: memref<3x4096xi32, #tpu.memory_space<hbm>>, %arg4: memref<32x1024xi32, #tpu.memory_space<hbm>>, %arg5: memref<32x4096xi32, #tpu.memory_space<hbm>>, %arg6: memref<3x4096xi32, #tpu.memory_space<vmem>>, %arg7: memref<192xi32, #tpu.memory_space<vmem>>, %arg8: memref<4096xi32, #tpu.memory_space<vmem>>, %arg9: memref<1024xi32, #tpu.memory_space<vmem>>) attributes {dimension_semantics = [#tpu.dimension_semantics<core_parallel>, #tpu.dimension_semantics<subcore_parallel>], iteration_bounds = array<i64: 2, 16>, scalar_prefetch = 0 : i64, scratch_operands = 4 : i64, tpu.core_type = #tpu.core_type<sc_vector_subcore>, window_params = [{transform_indices = #map}, {transform_indices = #map}, {transform_indices = #map}, {transform_indices = #map}]} {
    %mul3A = arith.constant 2 : i32
    %mul3A_0 = arith.muli %arg1, %mul3A : i32
    %add3A = arith.addi %mul3A_0, %arg0 : i32
    "tpu.region"() ({
      %run_scoped3A = tpu.sem_alloc : memref<!tpu.dma_semaphore, #tpu.memory_space<semaphore_mem>>
      tpu.enqueue_dma source(%arg3 : memref<3x4096xi32, #tpu.memory_space<hbm>>) target(%arg6 : memref<3x4096xi32, #tpu.memory_space<vmem>>) target_semaphore(%run_scoped3A : memref<!tpu.dma_semaphore, #tpu.memory_space<semaphore_mem>>)
      tpu.wait_dma2 semaphore(%run_scoped3A : memref<!tpu.dma_semaphore, #tpu.memory_space<semaphore_mem>>) src(%arg3 : memref<3x4096xi32, #tpu.memory_space<hbm>>) dst(%arg6 : memref<3x4096xi32, #tpu.memory_space<vmem>>)
      tpu.yield
    }) : () -> ()
    "tpu.region"() ({
      %run_scoped3A = tpu.sem_alloc : memref<!tpu.dma_semaphore, #tpu.memory_space<semaphore_mem>>
      %dma_start3A = arith.constant 0 : i32
      %dma_start3A_13 = tpu.memref_slice %arg2[%add3A, %dma_start3A] : memref<32x192xi32, #tpu.memory_space<hbm>> -> memref<1x192xi32, #tpu.memory_space<hbm>>
      %dma_start3A_14 = tpu.memref_squeeze %dma_start3A_13 : memref<1x192xi32, #tpu.memory_space<hbm>> -> memref<192xi32, #tpu.memory_space<hbm>>
      %dma_start3A_15 = arith.constant 0 : i32
      %dma_start3A_16 = tpu.memref_slice %arg2[%add3A, %dma_start3A_15] : memref<32x192xi32, #tpu.memory_space<hbm>> -> memref<1x192xi32, #tpu.memory_space<hbm>>
      %dma_start3A_17 = tpu.memref_squeeze %dma_start3A_16 : memref<1x192xi32, #tpu.memory_space<hbm>> -> memref<192xi32, #tpu.memory_space<hbm>>
      tpu.enqueue_dma source(%dma_start3A_17 : memref<192xi32, #tpu.memory_space<hbm>>) target(%arg7 : memref<192xi32, #tpu.memory_space<vmem>>) target_semaphore(%run_scoped3A : memref<!tpu.dma_semaphore, #tpu.memory_space<semaphore_mem>>)
      %dma_wait3A = arith.constant 0 : i32
      %dma_wait3A_18 = tpu.memref_slice %arg2[%add3A, %dma_wait3A] : memref<32x192xi32, #tpu.memory_space<hbm>> -> memref<1x192xi32, #tpu.memory_space<hbm>>
      %dma_wait3A_19 = tpu.memref_squeeze %dma_wait3A_18 : memref<1x192xi32, #tpu.memory_space<hbm>> -> memref<192xi32, #tpu.memory_space<hbm>>
      %dma_wait3A_20 = arith.constant 0 : i32
      %dma_wait3A_21 = tpu.memref_slice %arg2[%add3A, %dma_wait3A_20] : memref<32x192xi32, #tpu.memory_space<hbm>> -> memref<1x192xi32, #tpu.memory_space<hbm>>
      %dma_wait3A_22 = tpu.memref_squeeze %dma_wait3A_21 : memref<1x192xi32, #tpu.memory_space<hbm>> -> memref<192xi32, #tpu.memory_space<hbm>>
      tpu.wait_dma2 semaphore(%run_scoped3A : memref<!tpu.dma_semaphore, #tpu.memory_space<semaphore_mem>>) src(%dma_wait3A_22 : memref<192xi32, #tpu.memory_space<hbm>>) dst(%arg7 : memref<192xi32, #tpu.memory_space<vmem>>)
      tpu.yield
    }) : () -> ()
    %broadcast_in_dim3A = arith.constant 0x7F80 : bf16
    %broadcast_in_dim3A_1 = vector.broadcast %broadcast_in_dim3A : bf16 to vector<32xbf16>
    %bitcast3A = vector.bitcast %broadcast_in_dim3A_1 : vector<32xbf16> to vector<16xi32>
    %scan3A = arith.constant 0 : i32
    %scan3A_2 = arith.constant 0 : i32
    %scan3A_3 = arith.constant 256 : i32
    %scan3A_4 = arith.addi %scan3A_2, %scan3A_3 : i32
    %scan3A_5 = arith.constant 1 : i32
    scf.for %scan3A_13 = %scan3A_2 to %scan3A_4 step %scan3A_5  : i32 {
      %mul3A_14 = arith.constant 16 : i32
      %mul3A_15 = arith.muli %scan3A_13, %mul3A_14 : i32
      %swap3A = arith.index_cast %mul3A_15 : i32 to index
      %swap3A_16 = tpu.vector_load %arg8[%swap3A] {strides = array<i32>} : memref<4096xi32, #tpu.memory_space<vmem>>, vector<16xi32>,
      tpu.vector_store %arg8[%swap3A], %bitcast3A {strides = array<i32>} : memref<4096xi32, #tpu.memory_space<vmem>>, vector<16xi32>,
    }
    %scan3A_6 = arith.constant 256 : i32
    %scan3A_7 = arith.constant 0 : i32
    %scan3A_8 = arith.constant 0 : i32
    %scan3A_9 = arith.constant 4 : i32
    %scan3A_10 = arith.addi %scan3A_8, %scan3A_9 : i32
    %scan3A_11 = arith.constant 1 : i32
    scf.for %scan3A_13 = %scan3A_8 to %scan3A_10 step %scan3A_11  : i32 {
      %mul3A_14 = arith.constant 48 : i32
      %mul3A_15 = arith.muli %scan3A_13, %mul3A_14 : i32
      %add3A_16 = arith.constant 0 : i32
      %add3A_17 = arith.addi %mul3A_15, %add3A_16 : i32
      %get3A = arith.index_cast %add3A_17 : i32 to index
      %get3A_18 = tpu.vector_load %arg7[%get3A] {strides = array<i32>} : memref<192xi32, #tpu.memory_space<vmem>>, vector<16xi32>,
      %mul3A_19 = arith.constant 48 : i32
      %mul3A_20 = arith.muli %scan3A_13, %mul3A_19 : i32
      %add3A_21 = arith.constant 16 : i32
      %add3A_22 = arith.addi %mul3A_20, %add3A_21 : i32
      %get3A_23 = arith.index_cast %add3A_22 : i32 to index
      %get3A_24 = tpu.vector_load %arg7[%get3A_23] {strides = array<i32>} : memref<192xi32, #tpu.memory_space<vmem>>, vector<16xi32>,
      %mul3A_25 = arith.constant 48 : i32
      %mul3A_26 = arith.muli %scan3A_13, %mul3A_25 : i32
      %add3A_27 = arith.constant 32 : i32
      %add3A_28 = arith.addi %mul3A_26, %add3A_27 : i32
      %get3A_29 = arith.index_cast %add3A_28 : i32 to index
      %get3A_30 = tpu.vector_load %arg7[%get3A_29] {strides = array<i32>} : memref<192xi32, #tpu.memory_space<vmem>>, vector<16xi32>,
      %slice3A = vector.extract_strided_slice %get3A_18 {offsets = [0], sizes = [1], strides = [1]} : vector<16xi32> to vector<1xi32>
      %squeeze3A = vector.extract %slice3A[0] : i32 from vector<1xi32>
      %broadcast_in_dim3A_31 = vector.broadcast %squeeze3A : i32 to vector<16xi32>
      %bitcast3A_32 = vector.bitcast %broadcast_in_dim3A_31 : vector<16xi32> to vector<32xbf16>
      %slice3A_33 = vector.extract_strided_slice %get3A_18 {offsets = [1], sizes = [1], strides = [1]} : vector<16xi32> to vector<1xi32>
      %squeeze3A_34 = vector.extract %slice3A_33[0] : i32 from vector<1xi32>
      %broadcast_in_dim3A_35 = vector.broadcast %squeeze3A_34 : i32 to vector<16xi32>
      %bitcast3A_36 = vector.bitcast %broadcast_in_dim3A_35 : vector<16xi32> to vector<32xbf16>
      %slice3A_37 = vector.extract_strided_slice %get3A_18 {offsets = [2], sizes = [1], strides = [1]} : vector<16xi32> to vector<1xi32>
      %squeeze3A_38 = vector.extract %slice3A_37[0] : i32 from vector<1xi32>
      %broadcast_in_dim3A_39 = vector.broadcast %squeeze3A_38 : i32 to vector<16xi32>
      %bitcast3A_40 = vector.bitcast %broadcast_in_dim3A_39 : vector<16xi32> to vector<32xbf16>
      %slice3A_41 = vector.extract_strided_slice %get3A_18 {offsets = [3], sizes = [1], strides = [1]} : vector<16xi32> to vector<1xi32>
      %squeeze3A_42 = vector.extract %slice3A_41[0] : i32 from vector<1xi32>
      %broadcast_in_dim3A_43 = vector.broadcast %squeeze3A_42 : i32 to vector<16xi32>
      %bitcast3A_44 = vector.bitcast %broadcast_in_dim3A_43 : vector<16xi32> to vector<32xbf16>
      %slice3A_45 = vector.extract_strided_slice %get3A_18 {offsets = [4], sizes = [1], strides = [1]} : vector<16xi32> to vector<1xi32>
      %squeeze3A_46 = vector.extract %slice3A_45[0] : i32 from vector<1xi32>
      %broadcast_in_dim3A_47 = vector.broadcast %squeeze3A_46 : i32 to vector<16xi32>
      %bitcast3A_48 = vector.bitcast %broadcast_in_dim3A_47 : vector<16xi32> to vector<32xbf16>
      %slice3A_49 = vector.extract_strided_slice %get3A_18 {offsets = [5], sizes = [1], strides = [1]} : vector<16xi32> to vector<1xi32>
      %squeeze3A_50 = vector.extract %slice3A_49[0] : i32 from vector<1xi32>
      %broadcast_in_dim3A_51 = vector.broadcast %squeeze3A_50 : i32 to vector<16xi32>
      %bitcast3A_52 = vector.bitcast %broadcast_in_dim3A_51 : vector<16xi32> to vector<32xbf16>
      %slice3A_53 = vector.extract_strided_slice %get3A_18 {offsets = [6], sizes = [1], strides = [1]} : vector<16xi32> to vector<1xi32>
      %squeeze3A_54 = vector.extract %slice3A_53[0] : i32 from vector<1xi32>
      %broadcast_in_dim3A_55 = vector.broadcast %squeeze3A_54 : i32 to vector<16xi32>
      %bitcast3A_56 = vector.bitcast %broadcast_in_dim3A_55 : vector<16xi32> to vector<32xbf16>
      %slice3A_57 = vector.extract_strided_slice %get3A_18 {offsets = [7], sizes = [1], strides = [1]} : vector<16xi32> to vector<1xi32>
      %squeeze3A_58 = vector.extract %slice3A_57[0] : i32 from vector<1xi32>
      %broadcast_in_dim3A_59 = vector.broadcast %squeeze3A_58 : i32 to vector<16xi32>
      %bitcast3A_60 = vector.bitcast %broadcast_in_dim3A_59 : vector<16xi32> to vector<32xbf16>
      %slice3A_61 = vector.extract_strided_slice %get3A_18 {offsets = [8], sizes = [1], strides = [1]} : vector<16xi32> to vector<1xi32>
      %squeeze3A_62 = vector.extract %slice3A_61[0] : i32 from vector<1xi32>
      %broadcast_in_dim3A_63 = vector.broadcast %squeeze3A_62 : i32 to vector<16xi32>
      %bitcast3A_64 = vector.bitcast %broadcast_in_dim3A_63 : vector<16xi32> to vector<32xbf16>
      %slice3A_65 = vector.extract_strided_slice %get3A_18 {offsets = [9], sizes = [1], strides = [1]} : vector<16xi32> to vector<1xi32>
      %squeeze3A_66 = vector.extract %slice3A_65[0] : i32 from vector<1xi32>
      %broadcast_in_dim3A_67 = vector.broadcast %squeeze3A_66 : i32 to vector<16xi32>
      %bitcast3A_68 = vector.bitcast %broadcast_in_dim3A_67 : vector<16xi32> to vector<32xbf16>
      %slice3A_69 = vector.extract_strided_slice %get3A_18 {offsets = [10], sizes = [1], strides = [1]} : vector<16xi32> to vector<1xi32>
      %squeeze3A_70 = vector.extract %slice3A_69[0] : i32 from vector<1xi32>
      %broadcast_in_dim3A_71 = vector.broadcast %squeeze3A_70 : i32 to vector<16xi32>
      %bitcast3A_72 = vector.bitcast %broadcast_in_dim3A_71 : vector<16xi32> to vector<32xbf16>
      %slice3A_73 = vector.extract_strided_slice %get3A_18 {offsets = [11], sizes = [1], strides = [1]} : vector<16xi32> to vector<1xi32>
      %squeeze3A_74 = vector.extract %slice3A_73[0] : i32 from vector<1xi32>
      %broadcast_in_dim3A_75 = vector.broadcast %squeeze3A_74 : i32 to vector<16xi32>
      %bitcast3A_76 = vector.bitcast %broadcast_in_dim3A_75 : vector<16xi32> to vector<32xbf16>
      %scan3A_77 = arith.constant 0 : i32
      %scan3A_78 = arith.constant 256 : i32
      %scan3A_79 = arith.addi %scan3A_77, %scan3A_78 : i32
      %scan3A_80 = arith.constant 1 : i32
      %scan3A_81:4 = scf.for %scan3A_420 = %scan3A_77 to %scan3A_79 step %scan3A_80 iter_args(%scan3A_421 = %broadcast_in_dim3A_1, %scan3A_422 = %broadcast_in_dim3A_1, %scan3A_423 = %broadcast_in_dim3A_1, %scan3A_424 = %broadcast_in_dim3A_1) -> (vector<32xbf16>, vector<32xbf16>, vector<32xbf16>, vector<32xbf16>)  : i32 {
        %mul3A_425 = arith.constant 16 : i32
        %mul3A_426 = arith.muli %scan3A_420, %mul3A_425 : i32
        %get3A_427 = arith.constant 0 : i32
        %get3A_428 = arith.index_cast %get3A_427 : i32 to index
        %get3A_429 = arith.index_cast %mul3A_426 : i32 to index
        %get3A_430 = tpu.vector_load %arg6[%get3A_428, %get3A_429] {strides = array<i32>} : memref<3x4096xi32, #tpu.memory_space<vmem>>, vector<16xi32>,
        %bitcast3A_431 = vector.bitcast %get3A_430 : vector<16xi32> to vector<32xbf16>
        %mul3A_432 = arith.constant 16 : i32
        %mul3A_433 = arith.muli %scan3A_420, %mul3A_432 : i32
        %get3A_434 = arith.constant 1 : i32
        %get3A_435 = arith.index_cast %get3A_434 : i32 to index
        %get3A_436 = arith.index_cast %mul3A_433 : i32 to index
        %get3A_437 = tpu.vector_load %arg6[%get3A_435, %get3A_436] {strides = array<i32>} : memref<3x4096xi32, #tpu.memory_space<vmem>>, vector<16xi32>,
        %bitcast3A_438 = vector.bitcast %get3A_437 : vector<16xi32> to vector<32xbf16>
        %mul3A_439 = arith.constant 16 : i32
        %mul3A_440 = arith.muli %scan3A_420, %mul3A_439 : i32
        %get3A_441 = arith.constant 2 : i32
        %get3A_442 = arith.index_cast %get3A_441 : i32 to index
        %get3A_443 = arith.index_cast %mul3A_440 : i32 to index
        %get3A_444 = tpu.vector_load %arg6[%get3A_442, %get3A_443] {strides = array<i32>} : memref<3x4096xi32, #tpu.memory_space<vmem>>, vector<16xi32>,
        %bitcast3A_445 = vector.bitcast %get3A_444 : vector<16xi32> to vector<32xbf16>
        %sub3A = arith.subf %bitcast3A_431, %bitcast3A_32 : vector<32xbf16>
        %abs3A = math.absf %sub3A : vector<32xbf16>
        %sub3A_446 = arith.subf %bitcast3A_438, %bitcast3A_36 : vector<32xbf16>
        %abs3A_447 = math.absf %sub3A_446 : vector<32xbf16>
        %add3A_448 = arith.addf %abs3A, %abs3A_447 : vector<32xbf16>
        %sub3A_449 = arith.subf %bitcast3A_445, %bitcast3A_40 : vector<32xbf16>
        %abs3A_450 = math.absf %sub3A_449 : vector<32xbf16>
        %add3A_451 = arith.addf %add3A_448, %abs3A_450 : vector<32xbf16>
        %min3A = arith.minimumf %scan3A_421, %add3A_451 : vector<32xbf16>
        %sub3A_452 = arith.subf %bitcast3A_431, %bitcast3A_44 : vector<32xbf16>
        %abs3A_453 = math.absf %sub3A_452 : vector<32xbf16>
        %sub3A_454 = arith.subf %bitcast3A_438, %bitcast3A_48 : vector<32xbf16>
        %abs3A_455 = math.absf %sub3A_454 : vector<32xbf16>
        %add3A_456 = arith.addf %abs3A_453, %abs3A_455 : vector<32xbf16>
        %sub3A_457 = arith.subf %bitcast3A_445, %bitcast3A_52 : vector<32xbf16>
        %abs3A_458 = math.absf %sub3A_457 : vector<32xbf16>
        %add3A_459 = arith.addf %add3A_456, %abs3A_458 : vector<32xbf16>
        %min3A_460 = arith.minimumf %scan3A_422, %add3A_459 : vector<32xbf16>
        %sub3A_461 = arith.subf %bitcast3A_431, %bitcast3A_56 : vector<32xbf16>
        %abs3A_462 = math.absf %sub3A_461 : vector<32xbf16>
        %sub3A_463 = arith.subf %bitcast3A_438, %bitcast3A_60 : vector<32xbf16>
        %abs3A_464 = math.absf %sub3A_463 : vector<32xbf16>
        %add3A_465 = arith.addf %abs3A_462, %abs3A_464 : vector<32xbf16>
        %sub3A_466 = arith.subf %bitcast3A_445, %bitcast3A_64 : vector<32xbf16>
        %abs3A_467 = math.absf %sub3A_466 : vector<32xbf16>
        %add3A_468 = arith.addf %add3A_465, %abs3A_467 : vector<32xbf16>
        %min3A_469 = arith.minimumf %scan3A_423, %add3A_468 : vector<32xbf16>
        %sub3A_470 = arith.subf %bitcast3A_431, %bitcast3A_68 : vector<32xbf16>
        %abs3A_471 = math.absf %sub3A_470 : vector<32xbf16>
        %sub3A_472 = arith.subf %bitcast3A_438, %bitcast3A_72 : vector<32xbf16>
        %abs3A_473 = math.absf %sub3A_472 : vector<32xbf16>
        %add3A_474 = arith.addf %abs3A_471, %abs3A_473 : vector<32xbf16>
        %sub3A_475 = arith.subf %bitcast3A_445, %bitcast3A_76 : vector<32xbf16>
        %abs3A_476 = math.absf %sub3A_475 : vector<32xbf16>
        %add3A_477 = arith.addf %add3A_474, %abs3A_476 : vector<32xbf16>
        %min3A_478 = arith.minimumf %scan3A_424, %add3A_477 : vector<32xbf16>
        %min3A_479 = arith.minimumf %add3A_451, %add3A_459 : vector<32xbf16>
        %min3A_480 = arith.minimumf %add3A_468, %add3A_477 : vector<32xbf16>
        %min3A_481 = arith.minimumf %min3A_479, %min3A_480 : vector<32xbf16>
        %mul3A_482 = arith.constant 16 : i32
        %mul3A_483 = arith.muli %scan3A_420, %mul3A_482 : i32
        %get3A_484 = arith.index_cast %mul3A_483 : i32 to index
        %get3A_485 = tpu.vector_load %arg8[%get3A_484] {strides = array<i32>} : memref<4096xi32, #tpu.memory_space<vmem>>, vector<16xi32>,
        %bitcast3A_486 = vector.bitcast %get3A_485 : vector<16xi32> to vector<32xbf16>
        %min3A_487 = arith.minimumf %bitcast3A_486, %min3A_481 : vector<32xbf16>
        %bitcast3A_488 = vector.bitcast %min3A_487 : vector<32xbf16> to vector<16xi32>
        %mul3A_489 = arith.constant 16 : i32
        %mul3A_490 = arith.muli %scan3A_420, %mul3A_489 : i32
        %swap3A_491 = arith.index_cast %mul3A_490 : i32 to index
        %swap3A_492 = tpu.vector_load %arg8[%swap3A_491] {strides = array<i32>} : memref<4096xi32, #tpu.memory_space<vmem>>, vector<16xi32>,
        tpu.vector_store %arg8[%swap3A_491], %bitcast3A_488 {strides = array<i32>} : memref<4096xi32, #tpu.memory_space<vmem>>, vector<16xi32>,
        scf.yield %min3A, %min3A_460, %min3A_469, %min3A_478 : vector<32xbf16>, vector<32xbf16>, vector<32xbf16>, vector<32xbf16>
      }
      %scan3A_82 = arith.constant 256 : i32
      %mul3A_83 = arith.constant 16 : i32
      %mul3A_84 = arith.muli %scan3A_13, %mul3A_83 : i32
      %add3A_85 = arith.constant 0 : i32
      %add3A_86 = arith.addi %mul3A_84, %add3A_85 : i32
      %add3A_87 = arith.constant 0 : i32
      %add3A_88 = arith.addi %add3A_86, %add3A_87 : i32
      %bitcast3A_89 = vector.bitcast %scan3A_81#0 : vector<32xbf16> to vector<16xi32>
      %mul3A_90 = arith.constant 16 : i32
      %mul3A_91 = arith.muli %add3A_88, %mul3A_90 : i32
      %swap3A = arith.index_cast %mul3A_91 : i32 to index
      %swap3A_92 = tpu.vector_load %arg9[%swap3A] {strides = array<i32>} : memref<1024xi32, #tpu.memory_space<vmem>>, vector<16xi32>,
      tpu.vector_store %arg9[%swap3A], %bitcast3A_89 {strides = array<i32>} : memref<1024xi32, #tpu.memory_space<vmem>>, vector<16xi32>,
      %mul3A_93 = arith.constant 16 : i32
      %mul3A_94 = arith.muli %scan3A_13, %mul3A_93 : i32
      %add3A_95 = arith.constant 0 : i32
      %add3A_96 = arith.addi %mul3A_94, %add3A_95 : i32
      %add3A_97 = arith.constant 1 : i32
      %add3A_98 = arith.addi %add3A_96, %add3A_97 : i32
      %bitcast3A_99 = vector.bitcast %scan3A_81#1 : vector<32xbf16> to vector<16xi32>
      %mul3A_100 = arith.constant 16 : i32
      %mul3A_101 = arith.muli %add3A_98, %mul3A_100 : i32
      %swap3A_102 = arith.index_cast %mul3A_101 : i32 to index
      %swap3A_103 = tpu.vector_load %arg9[%swap3A_102] {strides = array<i32>} : memref<1024xi32, #tpu.memory_space<vmem>>, vector<16xi32>,
      tpu.vector_store %arg9[%swap3A_102], %bitcast3A_99 {strides = array<i32>} : memref<1024xi32, #tpu.memory_space<vmem>>, vector<16xi32>,
      %mul3A_104 = arith.constant 16 : i32
      %mul3A_105 = arith.muli %scan3A_13, %mul3A_104 : i32
      %add3A_106 = arith.constant 0 : i32
      %add3A_107 = arith.addi %mul3A_105, %add3A_106 : i32
      %add3A_108 = arith.constant 2 : i32
      %add3A_109 = arith.addi %add3A_107, %add3A_108 : i32
      %bitcast3A_110 = vector.bitcast %scan3A_81#2 : vector<32xbf16> to vector<16xi32>
      %mul3A_111 = arith.constant 16 : i32
      %mul3A_112 = arith.muli %add3A_109, %mul3A_111 : i32
      %swap3A_113 = arith.index_cast %mul3A_112 : i32 to index
      %swap3A_114 = tpu.vector_load %arg9[%swap3A_113] {strides = array<i32>} : memref<1024xi32, #tpu.memory_space<vmem>>, vector<16xi32>,
      tpu.vector_store %arg9[%swap3A_113], %bitcast3A_110 {strides = array<i32>} : memref<1024xi32, #tpu.memory_space<vmem>>, vector<16xi32>,
      %mul3A_115 = arith.constant 16 : i32
      %mul3A_116 = arith.muli %scan3A_13, %mul3A_115 : i32
      %add3A_117 = arith.constant 0 : i32
      %add3A_118 = arith.addi %mul3A_116, %add3A_117 : i32
      %add3A_119 = arith.constant 3 : i32
      %add3A_120 = arith.addi %add3A_118, %add3A_119 : i32
      %bitcast3A_121 = vector.bitcast %scan3A_81#3 : vector<32xbf16> to vector<16xi32>
      %mul3A_122 = arith.constant 16 : i32
      %mul3A_123 = arith.muli %add3A_120, %mul3A_122 : i32
      %swap3A_124 = arith.index_cast %mul3A_123 : i32 to index
      %swap3A_125 = tpu.vector_load %arg9[%swap3A_124] {strides = array<i32>} : memref<1024xi32, #tpu.memory_space<vmem>>, vector<16xi32>,
      tpu.vector_store %arg9[%swap3A_124], %bitcast3A_121 {strides = array<i32>} : memref<1024xi32, #tpu.memory_space<vmem>>, vector<16xi32>,
      %slice3A_126 = vector.extract_strided_slice %get3A_18 {offsets = [12], sizes = [1], strides = [1]} : vector<16xi32> to vector<1xi32>
      %squeeze3A_127 = vector.extract %slice3A_126[0] : i32 from vector<1xi32>
      %broadcast_in_dim3A_128 = vector.broadcast %squeeze3A_127 : i32 to vector<16xi32>
      %bitcast3A_129 = vector.bitcast %broadcast_in_dim3A_128 : vector<16xi32> to vector<32xbf16>
      %slice3A_130 = vector.extract_strided_slice %get3A_18 {offsets = [13], sizes = [1], strides = [1]} : vector<16xi32> to vector<1xi32>
      %squeeze3A_131 = vector.extract %slice3A_130[0] : i32 from vector<1xi32>
      %broadcast_in_dim3A_132 = vector.broadcast %squeeze3A_131 : i32 to vector<16xi32>
      %bitcast3A_133 = vector.bitcast %broadcast_in_dim3A_132 : vector<16xi32> to vector<32xbf16>
      %slice3A_134 = vector.extract_strided_slice %get3A_18 {offsets = [14], sizes = [1], strides = [1]} : vector<16xi32> to vector<1xi32>
      %squeeze3A_135 = vector.extract %slice3A_134[0] : i32 from vector<1xi32>
      %broadcast_in_dim3A_136 = vector.broadcast %squeeze3A_135 : i32 to vector<16xi32>
      %bitcast3A_137 = vector.bitcast %broadcast_in_dim3A_136 : vector<16xi32> to vector<32xbf16>
      %slice3A_138 = vector.extract_strided_slice %get3A_18 {offsets = [15], sizes = [1], strides = [1]} : vector<16xi32> to vector<1xi32>
      %squeeze3A_139 = vector.extract %slice3A_138[0] : i32 from vector<1xi32>
      %broadcast_in_dim3A_140 = vector.broadcast %squeeze3A_139 : i32 to vector<16xi32>
      %bitcast3A_141 = vector.bitcast %broadcast_in_dim3A_140 : vector<16xi32> to vector<32xbf16>
      %slice3A_142 = vector.extract_strided_slice %get3A_24 {offsets = [0], sizes = [1], strides = [1]} : vector<16xi32> to vector<1xi32>
      %squeeze3A_143 = vector.extract %slice3A_142[0] : i32 from vector<1xi32>
      %broadcast_in_dim3A_144 = vector.broadcast %squeeze3A_143 : i32 to vector<16xi32>
      %bitcast3A_145 = vector.bitcast %broadcast_in_dim3A_144 : vector<16xi32> to vector<32xbf16>
      %slice3A_146 = vector.extract_strided_slice %get3A_24 {offsets = [1], sizes = [1], strides = [1]} : vector<16xi32> to vector<1xi32>
      %squeeze3A_147 = vector.extract %slice3A_146[0] : i32 from vector<1xi32>
      %broadcast_in_dim3A_148 = vector.broadcast %squeeze3A_147 : i32 to vector<16xi32>
      %bitcast3A_149 = vector.bitcast %broadcast_in_dim3A_148 : vector<16xi32> to vector<32xbf16>
      %slice3A_150 = vector.extract_strided_slice %get3A_24 {offsets = [2], sizes = [1], strides = [1]} : vector<16xi32> to vector<1xi32>
      %squeeze3A_151 = vector.extract %slice3A_150[0] : i32 from vector<1xi32>
      %broadcast_in_dim3A_152 = vector.broadcast %squeeze3A_151 : i32 to vector<16xi32>
      %bitcast3A_153 = vector.bitcast %broadcast_in_dim3A_152 : vector<16xi32> to vector<32xbf16>
      %slice3A_154 = vector.extract_strided_slice %get3A_24 {offsets = [3], sizes = [1], strides = [1]} : vector<16xi32> to vector<1xi32>
      %squeeze3A_155 = vector.extract %slice3A_154[0] : i32 from vector<1xi32>
      %broadcast_in_dim3A_156 = vector.broadcast %squeeze3A_155 : i32 to vector<16xi32>
      %bitcast3A_157 = vector.bitcast %broadcast_in_dim3A_156 : vector<16xi32> to vector<32xbf16>
      %slice3A_158 = vector.extract_strided_slice %get3A_24 {offsets = [4], sizes = [1], strides = [1]} : vector<16xi32> to vector<1xi32>
      %squeeze3A_159 = vector.extract %slice3A_158[0] : i32 from vector<1xi32>
      %broadcast_in_dim3A_160 = vector.broadcast %squeeze3A_159 : i32 to vector<16xi32>
      %bitcast3A_161 = vector.bitcast %broadcast_in_dim3A_160 : vector<16xi32> to vector<32xbf16>
      %slice3A_162 = vector.extract_strided_slice %get3A_24 {offsets = [5], sizes = [1], strides = [1]} : vector<16xi32> to vector<1xi32>
      %squeeze3A_163 = vector.extract %slice3A_162[0] : i32 from vector<1xi32>
      %broadcast_in_dim3A_164 = vector.broadcast %squeeze3A_163 : i32 to vector<16xi32>
      %bitcast3A_165 = vector.bitcast %broadcast_in_dim3A_164 : vector<16xi32> to vector<32xbf16>
      %slice3A_166 = vector.extract_strided_slice %get3A_24 {offsets = [6], sizes = [1], strides = [1]} : vector<16xi32> to vector<1xi32>
      %squeeze3A_167 = vector.extract %slice3A_166[0] : i32 from vector<1xi32>
      %broadcast_in_dim3A_168 = vector.broadcast %squeeze3A_167 : i32 to vector<16xi32>
      %bitcast3A_169 = vector.bitcast %broadcast_in_dim3A_168 : vector<16xi32> to vector<32xbf16>
      %slice3A_170 = vector.extract_strided_slice %get3A_24 {offsets = [7], sizes = [1], strides = [1]} : vector<16xi32> to vector<1xi32>
      %squeeze3A_171 = vector.extract %slice3A_170[0] : i32 from vector<1xi32>
      %broadcast_in_dim3A_172 = vector.broadcast %squeeze3A_171 : i32 to vector<16xi32>
      %bitcast3A_173 = vector.bitcast %broadcast_in_dim3A_172 : vector<16xi32> to vector<32xbf16>
      %scan3A_174 = arith.constant 0 : i32
      %scan3A_175 = arith.constant 256 : i32
      %scan3A_176 = arith.addi %scan3A_174, %scan3A_175 : i32
      %scan3A_177 = arith.constant 1 : i32
      %scan3A_178:4 = scf.for %scan3A_420 = %scan3A_174 to %scan3A_176 step %scan3A_177 iter_args(%scan3A_421 = %broadcast_in_dim3A_1, %scan3A_422 = %broadcast_in_dim3A_1, %scan3A_423 = %broadcast_in_dim3A_1, %scan3A_424 = %broadcast_in_dim3A_1) -> (vector<32xbf16>, vector<32xbf16>, vector<32xbf16>, vector<32xbf16>)  : i32 {
        %mul3A_425 = arith.constant 16 : i32
        %mul3A_426 = arith.muli %scan3A_420, %mul3A_425 : i32
        %get3A_427 = arith.constant 0 : i32
        %get3A_428 = arith.index_cast %get3A_427 : i32 to index
        %get3A_429 = arith.index_cast %mul3A_426 : i32 to index
        %get3A_430 = tpu.vector_load %arg6[%get3A_428, %get3A_429] {strides = array<i32>} : memref<3x4096xi32, #tpu.memory_space<vmem>>, vector<16xi32>,
        %bitcast3A_431 = vector.bitcast %get3A_430 : vector<16xi32> to vector<32xbf16>
        %mul3A_432 = arith.constant 16 : i32
        %mul3A_433 = arith.muli %scan3A_420, %mul3A_432 : i32
        %get3A_434 = arith.constant 1 : i32
        %get3A_435 = arith.index_cast %get3A_434 : i32 to index
        %get3A_436 = arith.index_cast %mul3A_433 : i32 to index
        %get3A_437 = tpu.vector_load %arg6[%get3A_435, %get3A_436] {strides = array<i32>} : memref<3x4096xi32, #tpu.memory_space<vmem>>, vector<16xi32>,
        %bitcast3A_438 = vector.bitcast %get3A_437 : vector<16xi32> to vector<32xbf16>
        %mul3A_439 = arith.constant 16 : i32
        %mul3A_440 = arith.muli %scan3A_420, %mul3A_439 : i32
        %get3A_441 = arith.constant 2 : i32
        %get3A_442 = arith.index_cast %get3A_441 : i32 to index
        %get3A_443 = arith.index_cast %mul3A_440 : i32 to index
        %get3A_444 = tpu.vector_load %arg6[%get3A_442, %get3A_443] {strides = array<i32>} : memref<3x4096xi32, #tpu.memory_space<vmem>>, vector<16xi32>,
        %bitcast3A_445 = vector.bitcast %get3A_444 : vector<16xi32> to vector<32xbf16>
        %sub3A = arith.subf %bitcast3A_431, %bitcast3A_129 : vector<32xbf16>
        %abs3A = math.absf %sub3A : vector<32xbf16>
        %sub3A_446 = arith.subf %bitcast3A_438, %bitcast3A_133 : vector<32xbf16>
        %abs3A_447 = math.absf %sub3A_446 : vector<32xbf16>
        %add3A_448 = arith.addf %abs3A, %abs3A_447 : vector<32xbf16>
        %sub3A_449 = arith.subf %bitcast3A_445, %bitcast3A_137 : vector<32xbf16>
        %abs3A_450 = math.absf %sub3A_449 : vector<32xbf16>
        %add3A_451 = arith.addf %add3A_448, %abs3A_450 : vector<32xbf16>
        %min3A = arith.minimumf %scan3A_421, %add3A_451 : vector<32xbf16>
        %sub3A_452 = arith.subf %bitcast3A_431, %bitcast3A_141 : vector<32xbf16>
        %abs3A_453 = math.absf %sub3A_452 : vector<32xbf16>
        %sub3A_454 = arith.subf %bitcast3A_438, %bitcast3A_145 : vector<32xbf16>
        %abs3A_455 = math.absf %sub3A_454 : vector<32xbf16>
        %add3A_456 = arith.addf %abs3A_453, %abs3A_455 : vector<32xbf16>
        %sub3A_457 = arith.subf %bitcast3A_445, %bitcast3A_149 : vector<32xbf16>
        %abs3A_458 = math.absf %sub3A_457 : vector<32xbf16>
        %add3A_459 = arith.addf %add3A_456, %abs3A_458 : vector<32xbf16>
        %min3A_460 = arith.minimumf %scan3A_422, %add3A_459 : vector<32xbf16>
        %sub3A_461 = arith.subf %bitcast3A_431, %bitcast3A_153 : vector<32xbf16>
        %abs3A_462 = math.absf %sub3A_461 : vector<32xbf16>
        %sub3A_463 = arith.subf %bitcast3A_438, %bitcast3A_157 : vector<32xbf16>
        %abs3A_464 = math.absf %sub3A_463 : vector<32xbf16>
        %add3A_465 = arith.addf %abs3A_462, %abs3A_464 : vector<32xbf16>
        %sub3A_466 = arith.subf %bitcast3A_445, %bitcast3A_161 : vector<32xbf16>
        %abs3A_467 = math.absf %sub3A_466 : vector<32xbf16>
        %add3A_468 = arith.addf %add3A_465, %abs3A_467 : vector<32xbf16>
        %min3A_469 = arith.minimumf %scan3A_423, %add3A_468 : vector<32xbf16>
        %sub3A_470 = arith.subf %bitcast3A_431, %bitcast3A_165 : vector<32xbf16>
        %abs3A_471 = math.absf %sub3A_470 : vector<32xbf16>
        %sub3A_472 = arith.subf %bitcast3A_438, %bitcast3A_169 : vector<32xbf16>
        %abs3A_473 = math.absf %sub3A_472 : vector<32xbf16>
        %add3A_474 = arith.addf %abs3A_471, %abs3A_473 : vector<32xbf16>
        %sub3A_475 = arith.subf %bitcast3A_445, %bitcast3A_173 : vector<32xbf16>
        %abs3A_476 = math.absf %sub3A_475 : vector<32xbf16>
        %add3A_477 = arith.addf %add3A_474, %abs3A_476 : vector<32xbf16>
        %min3A_478 = arith.minimumf %scan3A_424, %add3A_477 : vector<32xbf16>
        %min3A_479 = arith.minimumf %add3A_451, %add3A_459 : vector<32xbf16>
        %min3A_480 = arith.minimumf %add3A_468, %add3A_477 : vector<32xbf16>
        %min3A_481 = arith.minimumf %min3A_479, %min3A_480 : vector<32xbf16>
        %mul3A_482 = arith.constant 16 : i32
        %mul3A_483 = arith.muli %scan3A_420, %mul3A_482 : i32
        %get3A_484 = arith.index_cast %mul3A_483 : i32 to index
        %get3A_485 = tpu.vector_load %arg8[%get3A_484] {strides = array<i32>} : memref<4096xi32, #tpu.memory_space<vmem>>, vector<16xi32>,
        %bitcast3A_486 = vector.bitcast %get3A_485 : vector<16xi32> to vector<32xbf16>
        %min3A_487 = arith.minimumf %bitcast3A_486, %min3A_481 : vector<32xbf16>
        %bitcast3A_488 = vector.bitcast %min3A_487 : vector<32xbf16> to vector<16xi32>
        %mul3A_489 = arith.constant 16 : i32
        %mul3A_490 = arith.muli %scan3A_420, %mul3A_489 : i32
        %swap3A_491 = arith.index_cast %mul3A_490 : i32 to index
        %swap3A_492 = tpu.vector_load %arg8[%swap3A_491] {strides = array<i32>} : memref<4096xi32, #tpu.memory_space<vmem>>, vector<16xi32>,
        tpu.vector_store %arg8[%swap3A_491], %bitcast3A_488 {strides = array<i32>} : memref<4096xi32, #tpu.memory_space<vmem>>, vector<16xi32>,
        scf.yield %min3A, %min3A_460, %min3A_469, %min3A_478 : vector<32xbf16>, vector<32xbf16>, vector<32xbf16>, vector<32xbf16>
      }
      %scan3A_179 = arith.constant 256 : i32
      %mul3A_180 = arith.constant 16 : i32
      %mul3A_181 = arith.muli %scan3A_13, %mul3A_180 : i32
      %add3A_182 = arith.constant 4 : i32
      %add3A_183 = arith.addi %mul3A_181, %add3A_182 : i32
      %add3A_184 = arith.constant 0 : i32
      %add3A_185 = arith.addi %add3A_183, %add3A_184 : i32
      %bitcast3A_186 = vector.bitcast %scan3A_178#0 : vector<32xbf16> to vector<16xi32>
      %mul3A_187 = arith.constant 16 : i32
      %mul3A_188 = arith.muli %add3A_185, %mul3A_187 : i32
      %swap3A_189 = arith.index_cast %mul3A_188 : i32 to index
      %swap3A_190 = tpu.vector_load %arg9[%swap3A_189] {strides = array<i32>} : memref<1024xi32, #tpu.memory_space<vmem>>, vector<16xi32>,
      tpu.vector_store %arg9[%swap3A_189], %bitcast3A_186 {strides = array<i32>} : memref<1024xi32, #tpu.memory_space<vmem>>, vector<16xi32>,
      %mul3A_191 = arith.constant 16 : i32
      %mul3A_192 = arith.muli %scan3A_13, %mul3A_191 : i32
      %add3A_193 = arith.constant 4 : i32
      %add3A_194 = arith.addi %mul3A_192, %add3A_193 : i32
      %add3A_195 = arith.constant 1 : i32
      %add3A_196 = arith.addi %add3A_194, %add3A_195 : i32
      %bitcast3A_197 = vector.bitcast %scan3A_178#1 : vector<32xbf16> to vector<16xi32>
      %mul3A_198 = arith.constant 16 : i32
      %mul3A_199 = arith.muli %add3A_196, %mul3A_198 : i32
      %swap3A_200 = arith.index_cast %mul3A_199 : i32 to index
      %swap3A_201 = tpu.vector_load %arg9[%swap3A_200] {strides = array<i32>} : memref<1024xi32, #tpu.memory_space<vmem>>, vector<16xi32>,
      tpu.vector_store %arg9[%swap3A_200], %bitcast3A_197 {strides = array<i32>} : memref<1024xi32, #tpu.memory_space<vmem>>, vector<16xi32>,
      %mul3A_202 = arith.constant 16 : i32
      %mul3A_203 = arith.muli %scan3A_13, %mul3A_202 : i32
      %add3A_204 = arith.constant 4 : i32
      %add3A_205 = arith.addi %mul3A_203, %add3A_204 : i32
      %add3A_206 = arith.constant 2 : i32
      %add3A_207 = arith.addi %add3A_205, %add3A_206 : i32
      %bitcast3A_208 = vector.bitcast %scan3A_178#2 : vector<32xbf16> to vector<16xi32>
      %mul3A_209 = arith.constant 16 : i32
      %mul3A_210 = arith.muli %add3A_207, %mul3A_209 : i32
      %swap3A_211 = arith.index_cast %mul3A_210 : i32 to index
      %swap3A_212 = tpu.vector_load %arg9[%swap3A_211] {strides = array<i32>} : memref<1024xi32, #tpu.memory_space<vmem>>, vector<16xi32>,
      tpu.vector_store %arg9[%swap3A_211], %bitcast3A_208 {strides = array<i32>} : memref<1024xi32, #tpu.memory_space<vmem>>, vector<16xi32>,
      %mul3A_213 = arith.constant 16 : i32
      %mul3A_214 = arith.muli %scan3A_13, %mul3A_213 : i32
      %add3A_215 = arith.constant 4 : i32
      %add3A_216 = arith.addi %mul3A_214, %add3A_215 : i32
      %add3A_217 = arith.constant 3 : i32
      %add3A_218 = arith.addi %add3A_216, %add3A_217 : i32
      %bitcast3A_219 = vector.bitcast %scan3A_178#3 : vector<32xbf16> to vector<16xi32>
      %mul3A_220 = arith.constant 16 : i32
      %mul3A_221 = arith.muli %add3A_218, %mul3A_220 : i32
      %swap3A_222 = arith.index_cast %mul3A_221 : i32 to index
      %swap3A_223 = tpu.vector_load %arg9[%swap3A_222] {strides = array<i32>} : memref<1024xi32, #tpu.memory_space<vmem>>, vector<16xi32>,
      tpu.vector_store %arg9[%swap3A_222], %bitcast3A_219 {strides = array<i32>} : memref<1024xi32, #tpu.memory_space<vmem>>, vector<16xi32>,
      %slice3A_224 = vector.extract_strided_slice %get3A_24 {offsets = [8], sizes = [1], strides = [1]} : vector<16xi32> to vector<1xi32>
      %squeeze3A_225 = vector.extract %slice3A_224[0] : i32 from vector<1xi32>
      %broadcast_in_dim3A_226 = vector.broadcast %squeeze3A_225 : i32 to vector<16xi32>
      %bitcast3A_227 = vector.bitcast %broadcast_in_dim3A_226 : vector<16xi32> to vector<32xbf16>
      %slice3A_228 = vector.extract_strided_slice %get3A_24 {offsets = [9], sizes = [1], strides = [1]} : vector<16xi32> to vector<1xi32>
      %squeeze3A_229 = vector.extract %slice3A_228[0] : i32 from vector<1xi32>
      %broadcast_in_dim3A_230 = vector.broadcast %squeeze3A_229 : i32 to vector<16xi32>
      %bitcast3A_231 = vector.bitcast %broadcast_in_dim3A_230 : vector<16xi32> to vector<32xbf16>
      %slice3A_232 = vector.extract_strided_slice %get3A_24 {offsets = [10], sizes = [1], strides = [1]} : vector<16xi32> to vector<1xi32>
      %squeeze3A_233 = vector.extract %slice3A_232[0] : i32 from vector<1xi32>
      %broadcast_in_dim3A_234 = vector.broadcast %squeeze3A_233 : i32 to vector<16xi32>
      %bitcast3A_235 = vector.bitcast %broadcast_in_dim3A_234 : vector<16xi32> to vector<32xbf16>
      %slice3A_236 = vector.extract_strided_slice %get3A_24 {offsets = [11], sizes = [1], strides = [1]} : vector<16xi32> to vector<1xi32>
      %squeeze3A_237 = vector.extract %slice3A_236[0] : i32 from vector<1xi32>
      %broadcast_in_dim3A_238 = vector.broadcast %squeeze3A_237 : i32 to vector<16xi32>
      %bitcast3A_239 = vector.bitcast %broadcast_in_dim3A_238 : vector<16xi32> to vector<32xbf16>
      %slice3A_240 = vector.extract_strided_slice %get3A_24 {offsets = [12], sizes = [1], strides = [1]} : vector<16xi32> to vector<1xi32>
      %squeeze3A_241 = vector.extract %slice3A_240[0] : i32 from vector<1xi32>
      %broadcast_in_dim3A_242 = vector.broadcast %squeeze3A_241 : i32 to vector<16xi32>
      %bitcast3A_243 = vector.bitcast %broadcast_in_dim3A_242 : vector<16xi32> to vector<32xbf16>
      %slice3A_244 = vector.extract_strided_slice %get3A_24 {offsets = [13], sizes = [1], strides = [1]} : vector<16xi32> to vector<1xi32>
      %squeeze3A_245 = vector.extract %slice3A_244[0] : i32 from vector<1xi32>
      %broadcast_in_dim3A_246 = vector.broadcast %squeeze3A_245 : i32 to vector<16xi32>
      %bitcast3A_247 = vector.bitcast %broadcast_in_dim3A_246 : vector<16xi32> to vector<32xbf16>
      %slice3A_248 = vector.extract_strided_slice %get3A_24 {offsets = [14], sizes = [1], strides = [1]} : vector<16xi32> to vector<1xi32>
      %squeeze3A_249 = vector.extract %slice3A_248[0] : i32 from vector<1xi32>
      %broadcast_in_dim3A_250 = vector.broadcast %squeeze3A_249 : i32 to vector<16xi32>
      %bitcast3A_251 = vector.bitcast %broadcast_in_dim3A_250 : vector<16xi32> to vector<32xbf16>
      %slice3A_252 = vector.extract_strided_slice %get3A_24 {offsets = [15], sizes = [1], strides = [1]} : vector<16xi32> to vector<1xi32>
      %squeeze3A_253 = vector.extract %slice3A_252[0] : i32 from vector<1xi32>
      %broadcast_in_dim3A_254 = vector.broadcast %squeeze3A_253 : i32 to vector<16xi32>
      %bitcast3A_255 = vector.bitcast %broadcast_in_dim3A_254 : vector<16xi32> to vector<32xbf16>
      %slice3A_256 = vector.extract_strided_slice %get3A_30 {offsets = [0], sizes = [1], strides = [1]} : vector<16xi32> to vector<1xi32>
      %squeeze3A_257 = vector.extract %slice3A_256[0] : i32 from vector<1xi32>
      %broadcast_in_dim3A_258 = vector.broadcast %squeeze3A_257 : i32 to vector<16xi32>
      %bitcast3A_259 = vector.bitcast %broadcast_in_dim3A_258 : vector<16xi32> to vector<32xbf16>
      %slice3A_260 = vector.extract_strided_slice %get3A_30 {offsets = [1], sizes = [1], strides = [1]} : vector<16xi32> to vector<1xi32>
      %squeeze3A_261 = vector.extract %slice3A_260[0] : i32 from vector<1xi32>
      %broadcast_in_dim3A_262 = vector.broadcast %squeeze3A_261 : i32 to vector<16xi32>
      %bitcast3A_263 = vector.bitcast %broadcast_in_dim3A_262 : vector<16xi32> to vector<32xbf16>
      %slice3A_264 = vector.extract_strided_slice %get3A_30 {offsets = [2], sizes = [1], strides = [1]} : vector<16xi32> to vector<1xi32>
      %squeeze3A_265 = vector.extract %slice3A_264[0] : i32 from vector<1xi32>
      %broadcast_in_dim3A_266 = vector.broadcast %squeeze3A_265 : i32 to vector<16xi32>
      %bitcast3A_267 = vector.bitcast %broadcast_in_dim3A_266 : vector<16xi32> to vector<32xbf16>
      %slice3A_268 = vector.extract_strided_slice %get3A_30 {offsets = [3], sizes = [1], strides = [1]} : vector<16xi32> to vector<1xi32>
      %squeeze3A_269 = vector.extract %slice3A_268[0] : i32 from vector<1xi32>
      %broadcast_in_dim3A_270 = vector.broadcast %squeeze3A_269 : i32 to vector<16xi32>
      %bitcast3A_271 = vector.bitcast %broadcast_in_dim3A_270 : vector<16xi32> to vector<32xbf16>
      %scan3A_272 = arith.constant 0 : i32
      %scan3A_273 = arith.constant 256 : i32
      %scan3A_274 = arith.addi %scan3A_272, %scan3A_273 : i32
      %scan3A_275 = arith.constant 1 : i32
      %scan3A_276:4 = scf.for %scan3A_420 = %scan3A_272 to %scan3A_274 step %scan3A_275 iter_args(%scan3A_421 = %broadcast_in_dim3A_1, %scan3A_422 = %broadcast_in_dim3A_1, %scan3A_423 = %broadcast_in_dim3A_1, %scan3A_424 = %broadcast_in_dim3A_1) -> (vector<32xbf16>, vector<32xbf16>, vector<32xbf16>, vector<32xbf16>)  : i32 {
        %mul3A_425 = arith.constant 16 : i32
        %mul3A_426 = arith.muli %scan3A_420, %mul3A_425 : i32
        %get3A_427 = arith.constant 0 : i32
        %get3A_428 = arith.index_cast %get3A_427 : i32 to index
        %get3A_429 = arith.index_cast %mul3A_426 : i32 to index
        %get3A_430 = tpu.vector_load %arg6[%get3A_428, %get3A_429] {strides = array<i32>} : memref<3x4096xi32, #tpu.memory_space<vmem>>, vector<16xi32>,
        %bitcast3A_431 = vector.bitcast %get3A_430 : vector<16xi32> to vector<32xbf16>
        %mul3A_432 = arith.constant 16 : i32
        %mul3A_433 = arith.muli %scan3A_420, %mul3A_432 : i32
        %get3A_434 = arith.constant 1 : i32
        %get3A_435 = arith.index_cast %get3A_434 : i32 to index
        %get3A_436 = arith.index_cast %mul3A_433 : i32 to index
        %get3A_437 = tpu.vector_load %arg6[%get3A_435, %get3A_436] {strides = array<i32>} : memref<3x4096xi32, #tpu.memory_space<vmem>>, vector<16xi32>,
        %bitcast3A_438 = vector.bitcast %get3A_437 : vector<16xi32> to vector<32xbf16>
        %mul3A_439 = arith.constant 16 : i32
        %mul3A_440 = arith.muli %scan3A_420, %mul3A_439 : i32
        %get3A_441 = arith.constant 2 : i32
        %get3A_442 = arith.index_cast %get3A_441 : i32 to index
        %get3A_443 = arith.index_cast %mul3A_440 : i32 to index
        %get3A_444 = tpu.vector_load %arg6[%get3A_442, %get3A_443] {strides = array<i32>} : memref<3x4096xi32, #tpu.memory_space<vmem>>, vector<16xi32>,
        %bitcast3A_445 = vector.bitcast %get3A_444 : vector<16xi32> to vector<32xbf16>
        %sub3A = arith.subf %bitcast3A_431, %bitcast3A_227 : vector<32xbf16>
        %abs3A = math.absf %sub3A : vector<32xbf16>
        %sub3A_446 = arith.subf %bitcast3A_438, %bitcast3A_231 : vector<32xbf16>
        %abs3A_447 = math.absf %sub3A_446 : vector<32xbf16>
        %add3A_448 = arith.addf %abs3A, %abs3A_447 : vector<32xbf16>
        %sub3A_449 = arith.subf %bitcast3A_445, %bitcast3A_235 : vector<32xbf16>
        %abs3A_450 = math.absf %sub3A_449 : vector<32xbf16>
        %add3A_451 = arith.addf %add3A_448, %abs3A_450 : vector<32xbf16>
        %min3A = arith.minimumf %scan3A_421, %add3A_451 : vector<32xbf16>
        %sub3A_452 = arith.subf %bitcast3A_431, %bitcast3A_239 : vector<32xbf16>
        %abs3A_453 = math.absf %sub3A_452 : vector<32xbf16>
        %sub3A_454 = arith.subf %bitcast3A_438, %bitcast3A_243 : vector<32xbf16>
        %abs3A_455 = math.absf %sub3A_454 : vector<32xbf16>
        %add3A_456 = arith.addf %abs3A_453, %abs3A_455 : vector<32xbf16>
        %sub3A_457 = arith.subf %bitcast3A_445, %bitcast3A_247 : vector<32xbf16>
        %abs3A_458 = math.absf %sub3A_457 : vector<32xbf16>
        %add3A_459 = arith.addf %add3A_456, %abs3A_458 : vector<32xbf16>
        %min3A_460 = arith.minimumf %scan3A_422, %add3A_459 : vector<32xbf16>
        %sub3A_461 = arith.subf %bitcast3A_431, %bitcast3A_251 : vector<32xbf16>
        %abs3A_462 = math.absf %sub3A_461 : vector<32xbf16>
        %sub3A_463 = arith.subf %bitcast3A_438, %bitcast3A_255 : vector<32xbf16>
        %abs3A_464 = math.absf %sub3A_463 : vector<32xbf16>
        %add3A_465 = arith.addf %abs3A_462, %abs3A_464 : vector<32xbf16>
        %sub3A_466 = arith.subf %bitcast3A_445, %bitcast3A_259 : vector<32xbf16>
        %abs3A_467 = math.absf %sub3A_466 : vector<32xbf16>
        %add3A_468 = arith.addf %add3A_465, %abs3A_467 : vector<32xbf16>
        %min3A_469 = arith.minimumf %scan3A_423, %add3A_468 : vector<32xbf16>
        %sub3A_470 = arith.subf %bitcast3A_431, %bitcast3A_263 : vector<32xbf16>
        %abs3A_471 = math.absf %sub3A_470 : vector<32xbf16>
        %sub3A_472 = arith.subf %bitcast3A_438, %bitcast3A_267 : vector<32xbf16>
        %abs3A_473 = math.absf %sub3A_472 : vector<32xbf16>
        %add3A_474 = arith.addf %abs3A_471, %abs3A_473 : vector<32xbf16>
        %sub3A_475 = arith.subf %bitcast3A_445, %bitcast3A_271 : vector<32xbf16>
        %abs3A_476 = math.absf %sub3A_475 : vector<32xbf16>
        %add3A_477 = arith.addf %add3A_474, %abs3A_476 : vector<32xbf16>
        %min3A_478 = arith.minimumf %scan3A_424, %add3A_477 : vector<32xbf16>
        %min3A_479 = arith.minimumf %add3A_451, %add3A_459 : vector<32xbf16>
        %min3A_480 = arith.minimumf %add3A_468, %add3A_477 : vector<32xbf16>
        %min3A_481 = arith.minimumf %min3A_479, %min3A_480 : vector<32xbf16>
        %mul3A_482 = arith.constant 16 : i32
        %mul3A_483 = arith.muli %scan3A_420, %mul3A_482 : i32
        %get3A_484 = arith.index_cast %mul3A_483 : i32 to index
        %get3A_485 = tpu.vector_load %arg8[%get3A_484] {strides = array<i32>} : memref<4096xi32, #tpu.memory_space<vmem>>, vector<16xi32>,
        %bitcast3A_486 = vector.bitcast %get3A_485 : vector<16xi32> to vector<32xbf16>
        %min3A_487 = arith.minimumf %bitcast3A_486, %min3A_481 : vector<32xbf16>
        %bitcast3A_488 = vector.bitcast %min3A_487 : vector<32xbf16> to vector<16xi32>
        %mul3A_489 = arith.constant 16 : i32
        %mul3A_490 = arith.muli %scan3A_420, %mul3A_489 : i32
        %swap3A_491 = arith.index_cast %mul3A_490 : i32 to index
        %swap3A_492 = tpu.vector_load %arg8[%swap3A_491] {strides = array<i32>} : memref<4096xi32, #tpu.memory_space<vmem>>, vector<16xi32>,
        tpu.vector_store %arg8[%swap3A_491], %bitcast3A_488 {strides = array<i32>} : memref<4096xi32, #tpu.memory_space<vmem>>, vector<16xi32>,
        scf.yield %min3A, %min3A_460, %min3A_469, %min3A_478 : vector<32xbf16>, vector<32xbf16>, vector<32xbf16>, vector<32xbf16>
      }
      %scan3A_277 = arith.constant 256 : i32
      %mul3A_278 = arith.constant 16 : i32
      %mul3A_279 = arith.muli %scan3A_13, %mul3A_278 : i32
      %add3A_280 = arith.constant 8 : i32
      %add3A_281 = arith.addi %mul3A_279, %add3A_280 : i32
      %add3A_282 = arith.constant 0 : i32
      %add3A_283 = arith.addi %add3A_281, %add3A_282 : i32
      %bitcast3A_284 = vector.bitcast %scan3A_276#0 : vector<32xbf16> to vector<16xi32>
      %mul3A_285 = arith.constant 16 : i32
      %mul3A_286 = arith.muli %add3A_283, %mul3A_285 : i32
      %swap3A_287 = arith.index_cast %mul3A_286 : i32 to index
      %swap3A_288 = tpu.vector_load %arg9[%swap3A_287] {strides = array<i32>} : memref<1024xi32, #tpu.memory_space<vmem>>, vector<16xi32>,
      tpu.vector_store %arg9[%swap3A_287], %bitcast3A_284 {strides = array<i32>} : memref<1024xi32, #tpu.memory_space<vmem>>, vector<16xi32>,
      %mul3A_289 = arith.constant 16 : i32
      %mul3A_290 = arith.muli %scan3A_13, %mul3A_289 : i32
      %add3A_291 = arith.constant 8 : i32
      %add3A_292 = arith.addi %mul3A_290, %add3A_291 : i32
      %add3A_293 = arith.constant 1 : i32
      %add3A_294 = arith.addi %add3A_292, %add3A_293 : i32
      %bitcast3A_295 = vector.bitcast %scan3A_276#1 : vector<32xbf16> to vector<16xi32>
      %mul3A_296 = arith.constant 16 : i32
      %mul3A_297 = arith.muli %add3A_294, %mul3A_296 : i32
      %swap3A_298 = arith.index_cast %mul3A_297 : i32 to index
      %swap3A_299 = tpu.vector_load %arg9[%swap3A_298] {strides = array<i32>} : memref<1024xi32, #tpu.memory_space<vmem>>, vector<16xi32>,
      tpu.vector_store %arg9[%swap3A_298], %bitcast3A_295 {strides = array<i32>} : memref<1024xi32, #tpu.memory_space<vmem>>, vector<16xi32>,
      %mul3A_300 = arith.constant 16 : i32
      %mul3A_301 = arith.muli %scan3A_13, %mul3A_300 : i32
      %add3A_302 = arith.constant 8 : i32
      %add3A_303 = arith.addi %mul3A_301, %add3A_302 : i32
      %add3A_304 = arith.constant 2 : i32
      %add3A_305 = arith.addi %add3A_303, %add3A_304 : i32
      %bitcast3A_306 = vector.bitcast %scan3A_276#2 : vector<32xbf16> to vector<16xi32>
      %mul3A_307 = arith.constant 16 : i32
      %mul3A_308 = arith.muli %add3A_305, %mul3A_307 : i32
      %swap3A_309 = arith.index_cast %mul3A_308 : i32 to index
      %swap3A_310 = tpu.vector_load %arg9[%swap3A_309] {strides = array<i32>} : memref<1024xi32, #tpu.memory_space<vmem>>, vector<16xi32>,
      tpu.vector_store %arg9[%swap3A_309], %bitcast3A_306 {strides = array<i32>} : memref<1024xi32, #tpu.memory_space<vmem>>, vector<16xi32>,
      %mul3A_311 = arith.constant 16 : i32
      %mul3A_312 = arith.muli %scan3A_13, %mul3A_311 : i32
      %add3A_313 = arith.constant 8 : i32
      %add3A_314 = arith.addi %mul3A_312, %add3A_313 : i32
      %add3A_315 = arith.constant 3 : i32
      %add3A_316 = arith.addi %add3A_314, %add3A_315 : i32
      %bitcast3A_317 = vector.bitcast %scan3A_276#3 : vector<32xbf16> to vector<16xi32>
      %mul3A_318 = arith.constant 16 : i32
      %mul3A_319 = arith.muli %add3A_316, %mul3A_318 : i32
      %swap3A_320 = arith.index_cast %mul3A_319 : i32 to index
      %swap3A_321 = tpu.vector_load %arg9[%swap3A_320] {strides = array<i32>} : memref<1024xi32, #tpu.memory_space<vmem>>, vector<16xi32>,
      tpu.vector_store %arg9[%swap3A_320], %bitcast3A_317 {strides = array<i32>} : memref<1024xi32, #tpu.memory_space<vmem>>, vector<16xi32>,
      %slice3A_322 = vector.extract_strided_slice %get3A_30 {offsets = [4], sizes = [1], strides = [1]} : vector<16xi32> to vector<1xi32>
      %squeeze3A_323 = vector.extract %slice3A_322[0] : i32 from vector<1xi32>
      %broadcast_in_dim3A_324 = vector.broadcast %squeeze3A_323 : i32 to vector<16xi32>
      %bitcast3A_325 = vector.bitcast %broadcast_in_dim3A_324 : vector<16xi32> to vector<32xbf16>
      %slice3A_326 = vector.extract_strided_slice %get3A_30 {offsets = [5], sizes = [1], strides = [1]} : vector<16xi32> to vector<1xi32>
      %squeeze3A_327 = vector.extract %slice3A_326[0] : i32 from vector<1xi32>
      %broadcast_in_dim3A_328 = vector.broadcast %squeeze3A_327 : i32 to vector<16xi32>
      %bitcast3A_329 = vector.bitcast %broadcast_in_dim3A_328 : vector<16xi32> to vector<32xbf16>
      %slice3A_330 = vector.extract_strided_slice %get3A_30 {offsets = [6], sizes = [1], strides = [1]} : vector<16xi32> to vector<1xi32>
      %squeeze3A_331 = vector.extract %slice3A_330[0] : i32 from vector<1xi32>
      %broadcast_in_dim3A_332 = vector.broadcast %squeeze3A_331 : i32 to vector<16xi32>
      %bitcast3A_333 = vector.bitcast %broadcast_in_dim3A_332 : vector<16xi32> to vector<32xbf16>
      %slice3A_334 = vector.extract_strided_slice %get3A_30 {offsets = [7], sizes = [1], strides = [1]} : vector<16xi32> to vector<1xi32>
      %squeeze3A_335 = vector.extract %slice3A_334[0] : i32 from vector<1xi32>
      %broadcast_in_dim3A_336 = vector.broadcast %squeeze3A_335 : i32 to vector<16xi32>
      %bitcast3A_337 = vector.bitcast %broadcast_in_dim3A_336 : vector<16xi32> to vector<32xbf16>
      %slice3A_338 = vector.extract_strided_slice %get3A_30 {offsets = [8], sizes = [1], strides = [1]} : vector<16xi32> to vector<1xi32>
      %squeeze3A_339 = vector.extract %slice3A_338[0] : i32 from vector<1xi32>
      %broadcast_in_dim3A_340 = vector.broadcast %squeeze3A_339 : i32 to vector<16xi32>
      %bitcast3A_341 = vector.bitcast %broadcast_in_dim3A_340 : vector<16xi32> to vector<32xbf16>
      %slice3A_342 = vector.extract_strided_slice %get3A_30 {offsets = [9], sizes = [1], strides = [1]} : vector<16xi32> to vector<1xi32>
      %squeeze3A_343 = vector.extract %slice3A_342[0] : i32 from vector<1xi32>
      %broadcast_in_dim3A_344 = vector.broadcast %squeeze3A_343 : i32 to vector<16xi32>
      %bitcast3A_345 = vector.bitcast %broadcast_in_dim3A_344 : vector<16xi32> to vector<32xbf16>
      %slice3A_346 = vector.extract_strided_slice %get3A_30 {offsets = [10], sizes = [1], strides = [1]} : vector<16xi32> to vector<1xi32>
      %squeeze3A_347 = vector.extract %slice3A_346[0] : i32 from vector<1xi32>
      %broadcast_in_dim3A_348 = vector.broadcast %squeeze3A_347 : i32 to vector<16xi32>
      %bitcast3A_349 = vector.bitcast %broadcast_in_dim3A_348 : vector<16xi32> to vector<32xbf16>
      %slice3A_350 = vector.extract_strided_slice %get3A_30 {offsets = [11], sizes = [1], strides = [1]} : vector<16xi32> to vector<1xi32>
      %squeeze3A_351 = vector.extract %slice3A_350[0] : i32 from vector<1xi32>
      %broadcast_in_dim3A_352 = vector.broadcast %squeeze3A_351 : i32 to vector<16xi32>
      %bitcast3A_353 = vector.bitcast %broadcast_in_dim3A_352 : vector<16xi32> to vector<32xbf16>
      %slice3A_354 = vector.extract_strided_slice %get3A_30 {offsets = [12], sizes = [1], strides = [1]} : vector<16xi32> to vector<1xi32>
      %squeeze3A_355 = vector.extract %slice3A_354[0] : i32 from vector<1xi32>
      %broadcast_in_dim3A_356 = vector.broadcast %squeeze3A_355 : i32 to vector<16xi32>
      %bitcast3A_357 = vector.bitcast %broadcast_in_dim3A_356 : vector<16xi32> to vector<32xbf16>
      %slice3A_358 = vector.extract_strided_slice %get3A_30 {offsets = [13], sizes = [1], strides = [1]} : vector<16xi32> to vector<1xi32>
      %squeeze3A_359 = vector.extract %slice3A_358[0] : i32 from vector<1xi32>
      %broadcast_in_dim3A_360 = vector.broadcast %squeeze3A_359 : i32 to vector<16xi32>
      %bitcast3A_361 = vector.bitcast %broadcast_in_dim3A_360 : vector<16xi32> to vector<32xbf16>
      %slice3A_362 = vector.extract_strided_slice %get3A_30 {offsets = [14], sizes = [1], strides = [1]} : vector<16xi32> to vector<1xi32>
      %squeeze3A_363 = vector.extract %slice3A_362[0] : i32 from vector<1xi32>
      %broadcast_in_dim3A_364 = vector.broadcast %squeeze3A_363 : i32 to vector<16xi32>
      %bitcast3A_365 = vector.bitcast %broadcast_in_dim3A_364 : vector<16xi32> to vector<32xbf16>
      %slice3A_366 = vector.extract_strided_slice %get3A_30 {offsets = [15], sizes = [1], strides = [1]} : vector<16xi32> to vector<1xi32>
      %squeeze3A_367 = vector.extract %slice3A_366[0] : i32 from vector<1xi32>
      %broadcast_in_dim3A_368 = vector.broadcast %squeeze3A_367 : i32 to vector<16xi32>
      %bitcast3A_369 = vector.bitcast %broadcast_in_dim3A_368 : vector<16xi32> to vector<32xbf16>
      %scan3A_370 = arith.constant 0 : i32
      %scan3A_371 = arith.constant 256 : i32
      %scan3A_372 = arith.addi %scan3A_370, %scan3A_371 : i32
      %scan3A_373 = arith.constant 1 : i32
      %scan3A_374:4 = scf.for %scan3A_420 = %scan3A_370 to %scan3A_372 step %scan3A_373 iter_args(%scan3A_421 = %broadcast_in_dim3A_1, %scan3A_422 = %broadcast_in_dim3A_1, %scan3A_423 = %broadcast_in_dim3A_1, %scan3A_424 = %broadcast_in_dim3A_1) -> (vector<32xbf16>, vector<32xbf16>, vector<32xbf16>, vector<32xbf16>)  : i32 {
        %mul3A_425 = arith.constant 16 : i32
        %mul3A_426 = arith.muli %scan3A_420, %mul3A_425 : i32
        %get3A_427 = arith.constant 0 : i32
        %get3A_428 = arith.index_cast %get3A_427 : i32 to index
        %get3A_429 = arith.index_cast %mul3A_426 : i32 to index
        %get3A_430 = tpu.vector_load %arg6[%get3A_428, %get3A_429] {strides = array<i32>} : memref<3x4096xi32, #tpu.memory_space<vmem>>, vector<16xi32>,
        %bitcast3A_431 = vector.bitcast %get3A_430 : vector<16xi32> to vector<32xbf16>
        %mul3A_432 = arith.constant 16 : i32
        %mul3A_433 = arith.muli %scan3A_420, %mul3A_432 : i32
        %get3A_434 = arith.constant 1 : i32
        %get3A_435 = arith.index_cast %get3A_434 : i32 to index
        %get3A_436 = arith.index_cast %mul3A_433 : i32 to index
        %get3A_437 = tpu.vector_load %arg6[%get3A_435, %get3A_436] {strides = array<i32>} : memref<3x4096xi32, #tpu.memory_space<vmem>>, vector<16xi32>,
        %bitcast3A_438 = vector.bitcast %get3A_437 : vector<16xi32> to vector<32xbf16>
        %mul3A_439 = arith.constant 16 : i32
        %mul3A_440 = arith.muli %scan3A_420, %mul3A_439 : i32
        %get3A_441 = arith.constant 2 : i32
        %get3A_442 = arith.index_cast %get3A_441 : i32 to index
        %get3A_443 = arith.index_cast %mul3A_440 : i32 to index
        %get3A_444 = tpu.vector_load %arg6[%get3A_442, %get3A_443] {strides = array<i32>} : memref<3x4096xi32, #tpu.memory_space<vmem>>, vector<16xi32>,
        %bitcast3A_445 = vector.bitcast %get3A_444 : vector<16xi32> to vector<32xbf16>
        %sub3A = arith.subf %bitcast3A_431, %bitcast3A_325 : vector<32xbf16>
        %abs3A = math.absf %sub3A : vector<32xbf16>
        %sub3A_446 = arith.subf %bitcast3A_438, %bitcast3A_329 : vector<32xbf16>
        %abs3A_447 = math.absf %sub3A_446 : vector<32xbf16>
        %add3A_448 = arith.addf %abs3A, %abs3A_447 : vector<32xbf16>
        %sub3A_449 = arith.subf %bitcast3A_445, %bitcast3A_333 : vector<32xbf16>
        %abs3A_450 = math.absf %sub3A_449 : vector<32xbf16>
        %add3A_451 = arith.addf %add3A_448, %abs3A_450 : vector<32xbf16>
        %min3A = arith.minimumf %scan3A_421, %add3A_451 : vector<32xbf16>
        %sub3A_452 = arith.subf %bitcast3A_431, %bitcast3A_337 : vector<32xbf16>
        %abs3A_453 = math.absf %sub3A_452 : vector<32xbf16>
        %sub3A_454 = arith.subf %bitcast3A_438, %bitcast3A_341 : vector<32xbf16>
        %abs3A_455 = math.absf %sub3A_454 : vector<32xbf16>
        %add3A_456 = arith.addf %abs3A_453, %abs3A_455 : vector<32xbf16>
        %sub3A_457 = arith.subf %bitcast3A_445, %bitcast3A_345 : vector<32xbf16>
        %abs3A_458 = math.absf %sub3A_457 : vector<32xbf16>
        %add3A_459 = arith.addf %add3A_456, %abs3A_458 : vector<32xbf16>
        %min3A_460 = arith.minimumf %scan3A_422, %add3A_459 : vector<32xbf16>
        %sub3A_461 = arith.subf %bitcast3A_431, %bitcast3A_349 : vector<32xbf16>
        %abs3A_462 = math.absf %sub3A_461 : vector<32xbf16>
        %sub3A_463 = arith.subf %bitcast3A_438, %bitcast3A_353 : vector<32xbf16>
        %abs3A_464 = math.absf %sub3A_463 : vector<32xbf16>
        %add3A_465 = arith.addf %abs3A_462, %abs3A_464 : vector<32xbf16>
        %sub3A_466 = arith.subf %bitcast3A_445, %bitcast3A_357 : vector<32xbf16>
        %abs3A_467 = math.absf %sub3A_466 : vector<32xbf16>
        %add3A_468 = arith.addf %add3A_465, %abs3A_467 : vector<32xbf16>
        %min3A_469 = arith.minimumf %scan3A_423, %add3A_468 : vector<32xbf16>
        %sub3A_470 = arith.subf %bitcast3A_431, %bitcast3A_361 : vector<32xbf16>
        %abs3A_471 = math.absf %sub3A_470 : vector<32xbf16>
        %sub3A_472 = arith.subf %bitcast3A_438, %bitcast3A_365 : vector<32xbf16>
        %abs3A_473 = math.absf %sub3A_472 : vector<32xbf16>
        %add3A_474 = arith.addf %abs3A_471, %abs3A_473 : vector<32xbf16>
        %sub3A_475 = arith.subf %bitcast3A_445, %bitcast3A_369 : vector<32xbf16>
        %abs3A_476 = math.absf %sub3A_475 : vector<32xbf16>
        %add3A_477 = arith.addf %add3A_474, %abs3A_476 : vector<32xbf16>
        %min3A_478 = arith.minimumf %scan3A_424, %add3A_477 : vector<32xbf16>
        %min3A_479 = arith.minimumf %add3A_451, %add3A_459 : vector<32xbf16>
        %min3A_480 = arith.minimumf %add3A_468, %add3A_477 : vector<32xbf16>
        %min3A_481 = arith.minimumf %min3A_479, %min3A_480 : vector<32xbf16>
        %mul3A_482 = arith.constant 16 : i32
        %mul3A_483 = arith.muli %scan3A_420, %mul3A_482 : i32
        %get3A_484 = arith.index_cast %mul3A_483 : i32 to index
        %get3A_485 = tpu.vector_load %arg8[%get3A_484] {strides = array<i32>} : memref<4096xi32, #tpu.memory_space<vmem>>, vector<16xi32>,
        %bitcast3A_486 = vector.bitcast %get3A_485 : vector<16xi32> to vector<32xbf16>
        %min3A_487 = arith.minimumf %bitcast3A_486, %min3A_481 : vector<32xbf16>
        %bitcast3A_488 = vector.bitcast %min3A_487 : vector<32xbf16> to vector<16xi32>
        %mul3A_489 = arith.constant 16 : i32
        %mul3A_490 = arith.muli %scan3A_420, %mul3A_489 : i32
        %swap3A_491 = arith.index_cast %mul3A_490 : i32 to index
        %swap3A_492 = tpu.vector_load %arg8[%swap3A_491] {strides = array<i32>} : memref<4096xi32, #tpu.memory_space<vmem>>, vector<16xi32>,
        tpu.vector_store %arg8[%swap3A_491], %bitcast3A_488 {strides = array<i32>} : memref<4096xi32, #tpu.memory_space<vmem>>, vector<16xi32>,
        scf.yield %min3A, %min3A_460, %min3A_469, %min3A_478 : vector<32xbf16>, vector<32xbf16>, vector<32xbf16>, vector<32xbf16>
      }
      %scan3A_375 = arith.constant 256 : i32
      %mul3A_376 = arith.constant 16 : i32
      %mul3A_377 = arith.muli %scan3A_13, %mul3A_376 : i32
      %add3A_378 = arith.constant 12 : i32
      %add3A_379 = arith.addi %mul3A_377, %add3A_378 : i32
      %add3A_380 = arith.constant 0 : i32
      %add3A_381 = arith.addi %add3A_379, %add3A_380 : i32
      %bitcast3A_382 = vector.bitcast %scan3A_374#0 : vector<32xbf16> to vector<16xi32>
      %mul3A_383 = arith.constant 16 : i32
      %mul3A_384 = arith.muli %add3A_381, %mul3A_383 : i32
      %swap3A_385 = arith.index_cast %mul3A_384 : i32 to index
      %swap3A_386 = tpu.vector_load %arg9[%swap3A_385] {strides = array<i32>} : memref<1024xi32, #tpu.memory_space<vmem>>, vector<16xi32>,
      tpu.vector_store %arg9[%swap3A_385], %bitcast3A_382 {strides = array<i32>} : memref<1024xi32, #tpu.memory_space<vmem>>, vector<16xi32>,
      %mul3A_387 = arith.constant 16 : i32
      %mul3A_388 = arith.muli %scan3A_13, %mul3A_387 : i32
      %add3A_389 = arith.constant 12 : i32
      %add3A_390 = arith.addi %mul3A_388, %add3A_389 : i32
      %add3A_391 = arith.constant 1 : i32
      %add3A_392 = arith.addi %add3A_390, %add3A_391 : i32
      %bitcast3A_393 = vector.bitcast %scan3A_374#1 : vector<32xbf16> to vector<16xi32>
      %mul3A_394 = arith.constant 16 : i32
      %mul3A_395 = arith.muli %add3A_392, %mul3A_394 : i32
      %swap3A_396 = arith.index_cast %mul3A_395 : i32 to index
      %swap3A_397 = tpu.vector_load %arg9[%swap3A_396] {strides = array<i32>} : memref<1024xi32, #tpu.memory_space<vmem>>, vector<16xi32>,
      tpu.vector_store %arg9[%swap3A_396], %bitcast3A_393 {strides = array<i32>} : memref<1024xi32, #tpu.memory_space<vmem>>, vector<16xi32>,
      %mul3A_398 = arith.constant 16 : i32
      %mul3A_399 = arith.muli %scan3A_13, %mul3A_398 : i32
      %add3A_400 = arith.constant 12 : i32
      %add3A_401 = arith.addi %mul3A_399, %add3A_400 : i32
      %add3A_402 = arith.constant 2 : i32
      %add3A_403 = arith.addi %add3A_401, %add3A_402 : i32
      %bitcast3A_404 = vector.bitcast %scan3A_374#2 : vector<32xbf16> to vector<16xi32>
      %mul3A_405 = arith.constant 16 : i32
      %mul3A_406 = arith.muli %add3A_403, %mul3A_405 : i32
      %swap3A_407 = arith.index_cast %mul3A_406 : i32 to index
      %swap3A_408 = tpu.vector_load %arg9[%swap3A_407] {strides = array<i32>} : memref<1024xi32, #tpu.memory_space<vmem>>, vector<16xi32>,
      tpu.vector_store %arg9[%swap3A_407], %bitcast3A_404 {strides = array<i32>} : memref<1024xi32, #tpu.memory_space<vmem>>, vector<16xi32>,
      %mul3A_409 = arith.constant 16 : i32
      %mul3A_410 = arith.muli %scan3A_13, %mul3A_409 : i32
      %add3A_411 = arith.constant 12 : i32
      %add3A_412 = arith.addi %mul3A_410, %add3A_411 : i32
      %add3A_413 = arith.constant 3 : i32
      %add3A_414 = arith.addi %add3A_412, %add3A_413 : i32
      %bitcast3A_415 = vector.bitcast %scan3A_374#3 : vector<32xbf16> to vector<16xi32>
      %mul3A_416 = arith.constant 16 : i32
      %mul3A_417 = arith.muli %add3A_414, %mul3A_416 : i32
      %swap3A_418 = arith.index_cast %mul3A_417 : i32 to index
      %swap3A_419 = tpu.vector_load %arg9[%swap3A_418] {strides = array<i32>} : memref<1024xi32, #tpu.memory_space<vmem>>, vector<16xi32>,
      tpu.vector_store %arg9[%swap3A_418], %bitcast3A_415 {strides = array<i32>} : memref<1024xi32, #tpu.memory_space<vmem>>, vector<16xi32>,
    }
    %scan3A_12 = arith.constant 4 : i32
    "tpu.region"() ({
      %run_scoped3A = tpu.sem_alloc : memref<!tpu.dma_semaphore, #tpu.memory_space<semaphore_mem>>
      %dma_start3A = arith.constant 0 : i32
      %dma_start3A_13 = tpu.memref_slice %arg4[%add3A, %dma_start3A] : memref<32x1024xi32, #tpu.memory_space<hbm>> -> memref<1x1024xi32, #tpu.memory_space<hbm>>
      %dma_start3A_14 = tpu.memref_squeeze %dma_start3A_13 : memref<1x1024xi32, #tpu.memory_space<hbm>> -> memref<1024xi32, #tpu.memory_space<hbm>>
      %dma_start3A_15 = arith.constant 0 : i32
      %dma_start3A_16 = tpu.memref_slice %arg4[%add3A, %dma_start3A_15] : memref<32x1024xi32, #tpu.memory_space<hbm>> -> memref<1x1024xi32, #tpu.memory_space<hbm>>
      %dma_start3A_17 = tpu.memref_squeeze %dma_start3A_16 : memref<1x1024xi32, #tpu.memory_space<hbm>> -> memref<1024xi32, #tpu.memory_space<hbm>>
      tpu.enqueue_dma source(%arg9 : memref<1024xi32, #tpu.memory_space<vmem>>) target(%dma_start3A_17 : memref<1024xi32, #tpu.memory_space<hbm>>) target_semaphore(%run_scoped3A : memref<!tpu.dma_semaphore, #tpu.memory_space<semaphore_mem>>)
      %dma_wait3A = arith.constant 0 : i32
      %dma_wait3A_18 = tpu.memref_slice %arg4[%add3A, %dma_wait3A] : memref<32x1024xi32, #tpu.memory_space<hbm>> -> memref<1x1024xi32, #tpu.memory_space<hbm>>
      %dma_wait3A_19 = tpu.memref_squeeze %dma_wait3A_18 : memref<1x1024xi32, #tpu.memory_space<hbm>> -> memref<1024xi32, #tpu.memory_space<hbm>>
      %dma_wait3A_20 = arith.constant 0 : i32
      %dma_wait3A_21 = tpu.memref_slice %arg4[%add3A, %dma_wait3A_20] : memref<32x1024xi32, #tpu.memory_space<hbm>> -> memref<1x1024xi32, #tpu.memory_space<hbm>>
      %dma_wait3A_22 = tpu.memref_squeeze %dma_wait3A_21 : memref<1x1024xi32, #tpu.memory_space<hbm>> -> memref<1024xi32, #tpu.memory_space<hbm>>
      tpu.wait_dma2 semaphore(%run_scoped3A : memref<!tpu.dma_semaphore, #tpu.memory_space<semaphore_mem>>) src(%arg9 : memref<1024xi32, #tpu.memory_space<vmem>>) dst(%dma_wait3A_22 : memref<1024xi32, #tpu.memory_space<hbm>>)
      tpu.yield
    }) : () -> ()
    "tpu.region"() ({
      %run_scoped3A = tpu.sem_alloc : memref<!tpu.dma_semaphore, #tpu.memory_space<semaphore_mem>>
      %dma_start3A = arith.constant 0 : i32
      %dma_start3A_13 = tpu.memref_slice %arg5[%add3A, %dma_start3A] : memref<32x4096xi32, #tpu.memory_space<hbm>> -> memref<1x4096xi32, #tpu.memory_space<hbm>>
      %dma_start3A_14 = tpu.memref_squeeze %dma_start3A_13 : memref<1x4096xi32, #tpu.memory_space<hbm>> -> memref<4096xi32, #tpu.memory_space<hbm>>
      %dma_start3A_15 = arith.constant 0 : i32
      %dma_start3A_16 = tpu.memref_slice %arg5[%add3A, %dma_start3A_15] : memref<32x4096xi32, #tpu.memory_space<hbm>> -> memref<1x4096xi32, #tpu.memory_space<hbm>>
      %dma_start3A_17 = tpu.memref_squeeze %dma_start3A_16 : memref<1x4096xi32, #tpu.memory_space<hbm>> -> memref<4096xi32, #tpu.memory_space<hbm>>
      tpu.enqueue_dma source(%arg8 : memref<4096xi32, #tpu.memory_space<vmem>>) target(%dma_start3A_17 : memref<4096xi32, #tpu.memory_space<hbm>>) target_semaphore(%run_scoped3A : memref<!tpu.dma_semaphore, #tpu.memory_space<semaphore_mem>>)
      %dma_wait3A = arith.constant 0 : i32
      %dma_wait3A_18 = tpu.memref_slice %arg5[%add3A, %dma_wait3A] : memref<32x4096xi32, #tpu.memory_space<hbm>> -> memref<1x4096xi32, #tpu.memory_space<hbm>>
      %dma_wait3A_19 = tpu.memref_squeeze %dma_wait3A_18 : memref<1x4096xi32, #tpu.memory_space<hbm>> -> memref<4096xi32, #tpu.memory_space<hbm>>
      %dma_wait3A_20 = arith.constant 0 : i32
      %dma_wait3A_21 = tpu.memref_slice %arg5[%add3A, %dma_wait3A_20] : memref<32x4096xi32, #tpu.memory_space<hbm>> -> memref<1x4096xi32, #tpu.memory_space<hbm>>
      %dma_wait3A_22 = tpu.memref_squeeze %dma_wait3A_21 : memref<1x4096xi32, #tpu.memory_space<hbm>> -> memref<4096xi32, #tpu.memory_space<hbm>>
      tpu.wait_dma2 semaphore(%run_scoped3A : memref<!tpu.dma_semaphore, #tpu.memory_space<semaphore_mem>>) src(%arg8 : memref<4096xi32, #tpu.memory_space<vmem>>) dst(%dma_wait3A_22 : memref<4096xi32, #tpu.memory_space<hbm>>)
      tpu.yield
    }) : () -> ()
    return
  }
}

module attributes {stable_mosaic.version = 14 : i64} {
  func.func @_tc_body(%arg0: i32, %arg1: memref<1x256x3xf32, #tpu.memory_space<vmem>>, %arg2: memref<1x256x3xf32, #tpu.memory_space<vmem>>, %arg3: memref<3x8192xbf16, #tpu.memory_space<vmem>>, %arg4: memref<1x1xf32, #tpu.memory_space<smem>>, %arg5: memref<8192xf32, #tpu.memory_space<vmem>>, %arg6: memref<8x8192xf32, #tpu.memory_space<vmem>>) attributes {dimension_semantics = [#tpu.dimension_semantics<arbitrary>], iteration_bounds = array<i64: 24>, scalar_prefetch = 0 : i64, scratch_operands = 0 : i64, tpu.core_type = #tpu.core_type<tc>, window_params = [{transform_indices = @transform_0, window_bounds = array<i64: 1, 256, 3>}, {transform_indices = @transform_1, window_bounds = array<i64: 1, 256, 3>}, {pipeline_mode = #tpu.pipeline_mode<synchronous>, transform_indices = @transform_2, window_bounds = array<i64: 3, 8192>}, {transform_indices = @transform_3, window_bounds = array<i64: 1, 1>}, {pipeline_mode = #tpu.pipeline_mode<synchronous>, transform_indices = @transform_4, window_bounds = array<i64: 8192>}, {pipeline_mode = #tpu.pipeline_mode<synchronous>, transform_indices = @transform_5, window_bounds = array<i64: 8, 8192>}]} {
    %get3A = arith.constant 0 : index
    %get3A_0 = arith.constant 0 : index
    %get3A_1 = arith.constant 0 : index
    %get3A_2 = vector.load %arg1[%get3A, %get3A_0, %get3A_1] : memref<1x256x3xf32, #tpu.memory_space<vmem>>, vector<1x256x3xf32>
    %get3A_3 = vector.shape_cast %get3A_2 : vector<1x256x3xf32> to vector<256x3xf32>
    %get3A_4 = arith.constant 0 : index
    %get3A_5 = arith.constant 0 : index
    %get3A_6 = arith.constant 0 : index
    %get3A_7 = vector.load %arg2[%get3A_4, %get3A_5, %get3A_6] : memref<1x256x3xf32, #tpu.memory_space<vmem>>, vector<1x256x3xf32>
    %get3A_8 = vector.shape_cast %get3A_7 : vector<1x256x3xf32> to vector<256x3xf32>
    %add3A = arith.addf %get3A_3, %get3A_8 : vector<256x3xf32>
    %slice3A = vector.extract_strided_slice %add3A {offsets = [0, 0], sizes = [256, 1], strides = [1, 1]} : vector<256x3xf32> to vector<256x1xf32>
    %convert_element_type3A = arith.truncf %slice3A : vector<256x1xf32> to vector<256x1xbf16>
    %slice3A_9 = vector.extract_strided_slice %add3A {offsets = [0, 1], sizes = [256, 1], strides = [1, 1]} : vector<256x3xf32> to vector<256x1xf32>
    %convert_element_type3A_10 = arith.truncf %slice3A_9 : vector<256x1xf32> to vector<256x1xbf16>
    %slice3A_11 = vector.extract_strided_slice %add3A {offsets = [0, 2], sizes = [256, 1], strides = [1, 1]} : vector<256x3xf32> to vector<256x1xf32>
    %convert_element_type3A_12 = arith.truncf %slice3A_11 : vector<256x1xf32> to vector<256x1xbf16>
    %get3A_13 = arith.constant 0 : index
    %get3A_14 = arith.constant 0 : index
    %get3A_15 = vector.load %arg3[%get3A_13, %get3A_14] : memref<3x8192xbf16, #tpu.memory_space<vmem>>, vector<1x8192xbf16>
    %get3A_16 = vector.shape_cast %get3A_15 : vector<1x8192xbf16> to vector<8192xbf16>
    %broadcast_in_dim3A = vector.shape_cast %get3A_16 : vector<8192xbf16> to vector<1x8192xbf16>
    %get3A_17 = arith.constant 1 : index
    %get3A_18 = arith.constant 0 : index
    %get3A_19 = vector.load %arg3[%get3A_17, %get3A_18] : memref<3x8192xbf16, #tpu.memory_space<vmem>>, vector<1x8192xbf16>
    %get3A_20 = vector.shape_cast %get3A_19 : vector<1x8192xbf16> to vector<8192xbf16>
    %broadcast_in_dim3A_21 = vector.shape_cast %get3A_20 : vector<8192xbf16> to vector<1x8192xbf16>
    %get3A_22 = arith.constant 2 : index
    %get3A_23 = arith.constant 0 : index
    %get3A_24 = vector.load %arg3[%get3A_22, %get3A_23] : memref<3x8192xbf16, #tpu.memory_space<vmem>>, vector<1x8192xbf16>
    %get3A_25 = vector.shape_cast %get3A_24 : vector<1x8192xbf16> to vector<8192xbf16>
    %broadcast_in_dim3A_26 = vector.shape_cast %get3A_25 : vector<8192xbf16> to vector<1x8192xbf16>
    %sub3A = vector.broadcast %convert_element_type3A : vector<256x1xbf16> to vector<256x8192xbf16>
    %sub3A_27 = vector.broadcast %broadcast_in_dim3A : vector<1x8192xbf16> to vector<256x8192xbf16>
    %sub3A_28 = arith.subf %sub3A, %sub3A_27 : vector<256x8192xbf16>
    %abs3A = math.absf %sub3A_28 : vector<256x8192xbf16>
    %sub3A_29 = vector.broadcast %convert_element_type3A_10 : vector<256x1xbf16> to vector<256x8192xbf16>
    %sub3A_30 = vector.broadcast %broadcast_in_dim3A_21 : vector<1x8192xbf16> to vector<256x8192xbf16>
    %sub3A_31 = arith.subf %sub3A_29, %sub3A_30 : vector<256x8192xbf16>
    %abs3A_32 = math.absf %sub3A_31 : vector<256x8192xbf16>
    %add3A_33 = arith.addf %abs3A, %abs3A_32 : vector<256x8192xbf16>
    %sub3A_34 = vector.broadcast %convert_element_type3A_12 : vector<256x1xbf16> to vector<256x8192xbf16>
    %sub3A_35 = vector.broadcast %broadcast_in_dim3A_26 : vector<1x8192xbf16> to vector<256x8192xbf16>
    %sub3A_36 = arith.subf %sub3A_34, %sub3A_35 : vector<256x8192xbf16>
    %abs3A_37 = math.absf %sub3A_36 : vector<256x8192xbf16>
    %add3A_38 = arith.addf %add3A_33, %abs3A_37 : vector<256x8192xbf16>
    %reduce_min3A = arith.constant dense<0x7F80> : vector<256xbf16>
    %reduce_min3A_39 = vector.multi_reduction <minimumf>, %add3A_38, %reduce_min3A [1] : vector<256x8192xbf16> to vector<256xbf16>
    %convert_element_type3A_40 = arith.extf %reduce_min3A_39 : vector<256xbf16> to vector<256xf32>
    %reduce_sum3A = vector.shape_cast %convert_element_type3A_40 : vector<256xf32> to vector<1x256xf32>
    %reduce_sum3A_41 = arith.constant dense<0.000000e+00> : vector<1xf32>
    %reduce_sum3A_42 = vector.multi_reduction <add>, %reduce_sum3A, %reduce_sum3A_41 [1] : vector<1x256xf32> to vector<1xf32>
    %reduce_sum3A_43 = vector.shape_cast %reduce_sum3A_42 : vector<1xf32> to vector<1x1xf32>
    %reduce_sum3A_44 = vector.extract %reduce_sum3A_43[0, 0] : f32 from vector<1x1xf32>
    %eq3A = arith.constant 0 : i32
    %eq3A_45 = arith.cmpi eq, %arg0, %eq3A : i32
    %convert_element_type3A_46 = arith.extui %eq3A_45 : i1 to i32
    %cond3A = arith.constant 0 : i32
    %cond3A_47 = arith.cmpi ne, %convert_element_type3A_46, %cond3A : i32
    scf.if %cond3A_47 {
      %swap3A = arith.constant 0 : index
      %swap3A_130 = arith.constant 0 : index
      %swap3A_131 = memref.load %arg4[%swap3A, %swap3A_130] : memref<1x1xf32, #tpu.memory_space<smem>>
      memref.store %reduce_sum3A_44, %arg4[%swap3A, %swap3A_130] : memref<1x1xf32, #tpu.memory_space<smem>>
    } else {
    }
    %gt3A = arith.constant 0 : i32
    %gt3A_48 = arith.cmpi sgt, %arg0, %gt3A : i32
    %convert_element_type3A_49 = arith.extui %gt3A_48 : i1 to i32
    %cond3A_50 = arith.constant 0 : i32
    %cond3A_51 = arith.cmpi ne, %convert_element_type3A_49, %cond3A_50 : i32
    scf.if %cond3A_51 {
      %get3A_130 = arith.constant 0 : index
      %get3A_131 = arith.constant 0 : index
      %get3A_132 = memref.load %arg4[%get3A_130, %get3A_131] : memref<1x1xf32, #tpu.memory_space<smem>>
      %add3A_133 = arith.addf %get3A_132, %reduce_sum3A_44 : f32
      %swap3A = arith.constant 0 : index
      %swap3A_134 = arith.constant 0 : index
      %swap3A_135 = memref.load %arg4[%swap3A, %swap3A_134] : memref<1x1xf32, #tpu.memory_space<smem>>
      memref.store %add3A_133, %arg4[%swap3A, %swap3A_134] : memref<1x1xf32, #tpu.memory_space<smem>>
    } else {
    }
    %slice3A_52 = vector.extract_strided_slice %add3A_38 {offsets = [0, 0], sizes = [8, 8192], strides = [1, 1]} : vector<256x8192xbf16> to vector<8x8192xbf16>
    %slice3A_53 = vector.extract_strided_slice %add3A_38 {offsets = [8, 0], sizes = [8, 8192], strides = [1, 1]} : vector<256x8192xbf16> to vector<8x8192xbf16>
    %min3A = arith.minimumf %slice3A_52, %slice3A_53 : vector<8x8192xbf16>
    %slice3A_54 = vector.extract_strided_slice %add3A_38 {offsets = [16, 0], sizes = [8, 8192], strides = [1, 1]} : vector<256x8192xbf16> to vector<8x8192xbf16>
    %min3A_55 = arith.minimumf %min3A, %slice3A_54 : vector<8x8192xbf16>
    %slice3A_56 = vector.extract_strided_slice %add3A_38 {offsets = [24, 0], sizes = [8, 8192], strides = [1, 1]} : vector<256x8192xbf16> to vector<8x8192xbf16>
    %min3A_57 = arith.minimumf %min3A_55, %slice3A_56 : vector<8x8192xbf16>
    %slice3A_58 = vector.extract_strided_slice %add3A_38 {offsets = [32, 0], sizes = [8, 8192], strides = [1, 1]} : vector<256x8192xbf16> to vector<8x8192xbf16>
    %min3A_59 = arith.minimumf %min3A_57, %slice3A_58 : vector<8x8192xbf16>
    %slice3A_60 = vector.extract_strided_slice %add3A_38 {offsets = [40, 0], sizes = [8, 8192], strides = [1, 1]} : vector<256x8192xbf16> to vector<8x8192xbf16>
    %min3A_61 = arith.minimumf %min3A_59, %slice3A_60 : vector<8x8192xbf16>
    %slice3A_62 = vector.extract_strided_slice %add3A_38 {offsets = [48, 0], sizes = [8, 8192], strides = [1, 1]} : vector<256x8192xbf16> to vector<8x8192xbf16>
    %min3A_63 = arith.minimumf %min3A_61, %slice3A_62 : vector<8x8192xbf16>
    %slice3A_64 = vector.extract_strided_slice %add3A_38 {offsets = [56, 0], sizes = [8, 8192], strides = [1, 1]} : vector<256x8192xbf16> to vector<8x8192xbf16>
    %min3A_65 = arith.minimumf %min3A_63, %slice3A_64 : vector<8x8192xbf16>
    %slice3A_66 = vector.extract_strided_slice %add3A_38 {offsets = [64, 0], sizes = [8, 8192], strides = [1, 1]} : vector<256x8192xbf16> to vector<8x8192xbf16>
    %min3A_67 = arith.minimumf %min3A_65, %slice3A_66 : vector<8x8192xbf16>
    %slice3A_68 = vector.extract_strided_slice %add3A_38 {offsets = [72, 0], sizes = [8, 8192], strides = [1, 1]} : vector<256x8192xbf16> to vector<8x8192xbf16>
    %min3A_69 = arith.minimumf %min3A_67, %slice3A_68 : vector<8x8192xbf16>
    %slice3A_70 = vector.extract_strided_slice %add3A_38 {offsets = [80, 0], sizes = [8, 8192], strides = [1, 1]} : vector<256x8192xbf16> to vector<8x8192xbf16>
    %min3A_71 = arith.minimumf %min3A_69, %slice3A_70 : vector<8x8192xbf16>
    %slice3A_72 = vector.extract_strided_slice %add3A_38 {offsets = [88, 0], sizes = [8, 8192], strides = [1, 1]} : vector<256x8192xbf16> to vector<8x8192xbf16>
    %min3A_73 = arith.minimumf %min3A_71, %slice3A_72 : vector<8x8192xbf16>
    %slice3A_74 = vector.extract_strided_slice %add3A_38 {offsets = [96, 0], sizes = [8, 8192], strides = [1, 1]} : vector<256x8192xbf16> to vector<8x8192xbf16>
    %min3A_75 = arith.minimumf %min3A_73, %slice3A_74 : vector<8x8192xbf16>
    %slice3A_76 = vector.extract_strided_slice %add3A_38 {offsets = [104, 0], sizes = [8, 8192], strides = [1, 1]} : vector<256x8192xbf16> to vector<8x8192xbf16>
    %min3A_77 = arith.minimumf %min3A_75, %slice3A_76 : vector<8x8192xbf16>
    %slice3A_78 = vector.extract_strided_slice %add3A_38 {offsets = [112, 0], sizes = [8, 8192], strides = [1, 1]} : vector<256x8192xbf16> to vector<8x8192xbf16>
    %min3A_79 = arith.minimumf %min3A_77, %slice3A_78 : vector<8x8192xbf16>
    %slice3A_80 = vector.extract_strided_slice %add3A_38 {offsets = [120, 0], sizes = [8, 8192], strides = [1, 1]} : vector<256x8192xbf16> to vector<8x8192xbf16>
    %min3A_81 = arith.minimumf %min3A_79, %slice3A_80 : vector<8x8192xbf16>
    %slice3A_82 = vector.extract_strided_slice %add3A_38 {offsets = [128, 0], sizes = [8, 8192], strides = [1, 1]} : vector<256x8192xbf16> to vector<8x8192xbf16>
    %min3A_83 = arith.minimumf %min3A_81, %slice3A_82 : vector<8x8192xbf16>
    %slice3A_84 = vector.extract_strided_slice %add3A_38 {offsets = [136, 0], sizes = [8, 8192], strides = [1, 1]} : vector<256x8192xbf16> to vector<8x8192xbf16>
    %min3A_85 = arith.minimumf %min3A_83, %slice3A_84 : vector<8x8192xbf16>
    %slice3A_86 = vector.extract_strided_slice %add3A_38 {offsets = [144, 0], sizes = [8, 8192], strides = [1, 1]} : vector<256x8192xbf16> to vector<8x8192xbf16>
    %min3A_87 = arith.minimumf %min3A_85, %slice3A_86 : vector<8x8192xbf16>
    %slice3A_88 = vector.extract_strided_slice %add3A_38 {offsets = [152, 0], sizes = [8, 8192], strides = [1, 1]} : vector<256x8192xbf16> to vector<8x8192xbf16>
    %min3A_89 = arith.minimumf %min3A_87, %slice3A_88 : vector<8x8192xbf16>
    %slice3A_90 = vector.extract_strided_slice %add3A_38 {offsets = [160, 0], sizes = [8, 8192], strides = [1, 1]} : vector<256x8192xbf16> to vector<8x8192xbf16>
    %min3A_91 = arith.minimumf %min3A_89, %slice3A_90 : vector<8x8192xbf16>
    %slice3A_92 = vector.extract_strided_slice %add3A_38 {offsets = [168, 0], sizes = [8, 8192], strides = [1, 1]} : vector<256x8192xbf16> to vector<8x8192xbf16>
    %min3A_93 = arith.minimumf %min3A_91, %slice3A_92 : vector<8x8192xbf16>
    %slice3A_94 = vector.extract_strided_slice %add3A_38 {offsets = [176, 0], sizes = [8, 8192], strides = [1, 1]} : vector<256x8192xbf16> to vector<8x8192xbf16>
    %min3A_95 = arith.minimumf %min3A_93, %slice3A_94 : vector<8x8192xbf16>
    %slice3A_96 = vector.extract_strided_slice %add3A_38 {offsets = [184, 0], sizes = [8, 8192], strides = [1, 1]} : vector<256x8192xbf16> to vector<8x8192xbf16>
    %min3A_97 = arith.minimumf %min3A_95, %slice3A_96 : vector<8x8192xbf16>
    %slice3A_98 = vector.extract_strided_slice %add3A_38 {offsets = [192, 0], sizes = [8, 8192], strides = [1, 1]} : vector<256x8192xbf16> to vector<8x8192xbf16>
    %min3A_99 = arith.minimumf %min3A_97, %slice3A_98 : vector<8x8192xbf16>
    %slice3A_100 = vector.extract_strided_slice %add3A_38 {offsets = [200, 0], sizes = [8, 8192], strides = [1, 1]} : vector<256x8192xbf16> to vector<8x8192xbf16>
    %min3A_101 = arith.minimumf %min3A_99, %slice3A_100 : vector<8x8192xbf16>
    %slice3A_102 = vector.extract_strided_slice %add3A_38 {offsets = [208, 0], sizes = [8, 8192], strides = [1, 1]} : vector<256x8192xbf16> to vector<8x8192xbf16>
    %min3A_103 = arith.minimumf %min3A_101, %slice3A_102 : vector<8x8192xbf16>
    %slice3A_104 = vector.extract_strided_slice %add3A_38 {offsets = [216, 0], sizes = [8, 8192], strides = [1, 1]} : vector<256x8192xbf16> to vector<8x8192xbf16>
    %min3A_105 = arith.minimumf %min3A_103, %slice3A_104 : vector<8x8192xbf16>
    %slice3A_106 = vector.extract_strided_slice %add3A_38 {offsets = [224, 0], sizes = [8, 8192], strides = [1, 1]} : vector<256x8192xbf16> to vector<8x8192xbf16>
    %min3A_107 = arith.minimumf %min3A_105, %slice3A_106 : vector<8x8192xbf16>
    %slice3A_108 = vector.extract_strided_slice %add3A_38 {offsets = [232, 0], sizes = [8, 8192], strides = [1, 1]} : vector<256x8192xbf16> to vector<8x8192xbf16>
    %min3A_109 = arith.minimumf %min3A_107, %slice3A_108 : vector<8x8192xbf16>
    %slice3A_110 = vector.extract_strided_slice %add3A_38 {offsets = [240, 0], sizes = [8, 8192], strides = [1, 1]} : vector<256x8192xbf16> to vector<8x8192xbf16>
    %min3A_111 = arith.minimumf %min3A_109, %slice3A_110 : vector<8x8192xbf16>
    %slice3A_112 = vector.extract_strided_slice %add3A_38 {offsets = [248, 0], sizes = [8, 8192], strides = [1, 1]} : vector<256x8192xbf16> to vector<8x8192xbf16>
    %min3A_113 = arith.minimumf %min3A_111, %slice3A_112 : vector<8x8192xbf16>
    %convert_element_type3A_114 = arith.extf %min3A_113 : vector<8x8192xbf16> to vector<8x8192xf32>
    %eq3A_115 = arith.constant 0 : i32
    %eq3A_116 = arith.cmpi eq, %arg0, %eq3A_115 : i32
    %convert_element_type3A_117 = arith.extui %eq3A_116 : i1 to i32
    %cond3A_118 = arith.constant 0 : i32
    %cond3A_119 = arith.cmpi ne, %convert_element_type3A_117, %cond3A_118 : i32
    scf.if %cond3A_119 {
      %swap3A = arith.constant 0 : index
      %swap3A_130 = arith.constant 0 : index
      %swap3A_131 = vector.load %arg6[%swap3A, %swap3A_130] : memref<8x8192xf32, #tpu.memory_space<vmem>>, vector<8x8192xf32>
      tpu.vector_store %arg6[%swap3A, %swap3A_130], %convert_element_type3A_114 {strides = array<i32>} : memref<8x8192xf32, #tpu.memory_space<vmem>>, vector<8x8192xf32>,
    } else {
    }
    %gt3A_120 = arith.constant 0 : i32
    %gt3A_121 = arith.cmpi sgt, %arg0, %gt3A_120 : i32
    %convert_element_type3A_122 = arith.extui %gt3A_121 : i1 to i32
    %cond3A_123 = arith.constant 0 : i32
    %cond3A_124 = arith.cmpi ne, %convert_element_type3A_122, %cond3A_123 : i32
    scf.if %cond3A_124 {
      %get3A_130 = arith.constant 0 : index
      %get3A_131 = arith.constant 0 : index
      %get3A_132 = vector.load %arg6[%get3A_130, %get3A_131] : memref<8x8192xf32, #tpu.memory_space<vmem>>, vector<8x8192xf32>
      %min3A_133 = arith.minimumf %get3A_132, %convert_element_type3A_114 : vector<8x8192xf32>
      %swap3A = arith.constant 0 : index
      %swap3A_134 = arith.constant 0 : index
      %swap3A_135 = vector.load %arg6[%swap3A, %swap3A_134] : memref<8x8192xf32, #tpu.memory_space<vmem>>, vector<8x8192xf32>
      tpu.vector_store %arg6[%swap3A, %swap3A_134], %min3A_133 {strides = array<i32>} : memref<8x8192xf32, #tpu.memory_space<vmem>>, vector<8x8192xf32>,
    } else {
    }
    %eq3A_125 = arith.constant 23 : i32
    %eq3A_126 = arith.cmpi eq, %arg0, %eq3A_125 : i32
    %convert_element_type3A_127 = arith.extui %eq3A_126 : i1 to i32
    %cond3A_128 = arith.constant 0 : i32
    %cond3A_129 = arith.cmpi ne, %convert_element_type3A_127, %cond3A_128 : i32
    scf.if %cond3A_129 {
      %get3A_130 = arith.constant 0 : index
      %get3A_131 = arith.constant 0 : index
      %get3A_132 = vector.load %arg6[%get3A_130, %get3A_131] : memref<8x8192xf32, #tpu.memory_space<vmem>>, vector<8x8192xf32>
      %reduce_min3A_133 = arith.constant dense<0x7F800000> : vector<8192xf32>
      %reduce_min3A_134 = vector.multi_reduction <minimumf>, %get3A_132, %reduce_min3A_133 [0] : vector<8x8192xf32> to vector<8192xf32>
      %swap3A = arith.constant 0 : index
      %swap3A_135 = vector.load %arg5[%swap3A] : memref<8192xf32, #tpu.memory_space<vmem>>, vector<8192xf32>
      tpu.vector_store %arg5[%swap3A], %reduce_min3A_134 {strides = array<i32>} : memref<8192xf32, #tpu.memory_space<vmem>>, vector<8192xf32>,
    } else {
    }
    return
  }
  func.func @transform_0(%arg0: i32) -> (i32, i32, i32) {
    %c0_i32 = arith.constant 0 : i32
    %c0_i32_0 = arith.constant 0 : i32
    %c0_i32_1 = arith.constant 0 : i32
    return %c0_i32, %arg0, %c0_i32_0 : i32, i32, i32
  }
  func.func @transform_1(%arg0: i32) -> (i32, i32, i32) {
    %c0_i32 = arith.constant 0 : i32
    %c0_i32_0 = arith.constant 0 : i32
    %c0_i32_1 = arith.constant 0 : i32
    return %c0_i32, %arg0, %c0_i32_0 : i32, i32, i32
  }
  func.func @transform_2(%arg0: i32) -> (i32, i32) {
    %c0_i32 = arith.constant 0 : i32
    %c0_i32_0 = arith.constant 0 : i32
    %c0_i32_1 = arith.constant 0 : i32
    return %c0_i32, %c0_i32_0 : i32, i32
  }
  func.func @transform_3(%arg0: i32) -> (i32, i32) {
    %c0_i32 = arith.constant 0 : i32
    %c0_i32_0 = arith.constant 0 : i32
    %c0_i32_1 = arith.constant 0 : i32
    return %c0_i32, %c0_i32_0 : i32, i32
  }
  func.func @transform_4(%arg0: i32) -> i32 {
    %c0_i32 = arith.constant 0 : i32
    %c0_i32_0 = arith.constant 0 : i32
    return %c0_i32 : i32
  }
  func.func @transform_5(%arg0: i32) -> (i32, i32) {
    %c0_i32 = arith.constant 0 : i32
    %c0_i32_0 = arith.constant 0 : i32
    %c0_i32_1 = arith.constant 0 : i32
    return %c0_i32, %c0_i32_0 : i32, i32
  }
}

</mosaic_0001>

<sc_bundles>
// kernel: kernel.4.cloned.1.call-start
scs
__scs_entry_jumppad:
0x0: {  	(pc) =	sbr.rel $0x88, $3  }
0x1: {  	(tag) =	ssettag $0x0;
	lr =	simm.s32 $0x1  }
0x2: {  	[smem:$0x3F9E] =	sst lr;
	_ =	strace $0xD0000000  }
0x3: {  	_ = 	snop  }
0x4: {  	_ = 	snop  }
0x5: {  	_ = 	snop  }
0x6: {  	_ = 	snop  }
0x7: {  	_ = 	snop  }
__scs_overlays_trampoline_lowered:
0x8: {  	[smem:$0x3FAD] =	sst s0  }
0x9: {  	[smem:$0x3FAE] =	sst s1  }
0xa: {  	[smem:$0x3FAF] =	sst s2  }
0xb: {  	[smem:$0x3FB0] =	sst s3  }
0xc: {  	[smem:$0x3FB1] =	sst s4  }
0xd: {  	[smem:$0x3FB2] =	sst s5  }
0xe: {  	[smem:$0x3FB3] =	sst s6  }
0xf: {  	[smem:$0x3FB4] =	sst s7  }
0x10: {  	[smem:$0x3FB5] =	sst s8  }
0x11: {  	[smem:$0x3FB6] =	sst s9;
	s0 =	simm.s32 @!p0 $0x0  }
0x12: {  	s1 =	sld [smem:$0x3F9C];
	s0 =	simm.s32 @p0 $0x1  }
0x13: {  	[smem:$0x3FB7] =	sst s0;
	s0 =	simm.s32 @!p1 $0x0  }
0x14: {  	s2 =	sld [smem:$0x3F9B];
	s0 =	simm.s32 @p1 $0x1  }
0x15: {  	[smem:$0x3FB8] =	sst s0;
	s0 =	simm.s32 @!p2 $0x0  }
0x16: {  	s3 =	sld [smem:$0x3FDB];
	s0 =	simm.s32 @p2 $0x1  }
0x17: {  	s4 =	simm.s32 $0x1BF5;
	[smem:$0x3FBA] =	sst s0  }
0x18: {  	s0 =	sld [smem:$0x3F9D];
	_ =	swait.ge [sflag:s4], $0x0  }
0x19: {  	s7 =	sld [smem:$0x3F9E]  }
0x1a: {  	s8 =	sadd.s32 $0xFFFFE003, lr  }
0x1b: {  	s9 =	sadd.s32 $0xFFFFFEF7, lr;
	s5 =	simm.s32 $0xFFFFFFFF;
	p2 =	slt.u32 s8, $0xFFFFF086  }
0x1c: {  	p1 =	slt.u32 s9, $0xF7A;
	s5 =	simm.s32 @!p2 $0x0  }
0x1d: {  	s5 =	simm.s32 @p1 $0x1;
	p0 =	seq.s32 s7, s2  }
0x1e: {  	s7 =	smul.u32 @!p0 $0xF7A, s2;
	p2 =	seq.s32 @!p0 s5, $0x0  }
0x1f: {  	s9 =	smul.u32 $0xF7A, s1;
	s8 =	simm.s32 @!p0 $0x1BF5;
	p2 =	por !p2, p0  }
0x20: {  	[sflag:s8] =	ssyncset.s32 @!p0 $0xFFFFF086;
	s6 =	sadd.s32 @!p0 s3, s7;
	s7 =	simm.s32 @!p0 $0x108  }
0x21: {  	s3 =	sadd.s32 s3, s9;
	s6 =	sadd.s32 @!p0 $0x88, s6;
	s7 =	simm.s32 @p2 $0x1082  }
0x22: {  	[simem:s7], [sflag:s8] =	dma.local @!p0 [hbm:s6], $0xF7A  }
0x23: {  	s9 =	sor.u32 $0xD0000000, s2;
	s6 =	simm.s32 $0x108;
	_ =	swait.ge @!p0 [sflag:s8], $0x0  }
0x24: {  	s3 =	sadd.s32 $0x88, s3;
	s6 =	simm.s32 @!p1 $0x1082;
	[sflag:s4] =	ssyncset.s32 $0xFFFFF086  }
0x25: {  	[simem:s6], [sflag:s4] =	dma.local [hbm:s3], $0xF7A  }
0x26: {  	[smem:$0x3F9E] =	sst s1;
	(tag) =	ssettag s2;
	_ =	strace s9  }
0x27: {  	s1 =	sld [smem:$0x3FAE]  }
0x28: {  	s2 =	sld [smem:$0x3FAF]  }
0x29: {  	s4 =	sld [smem:$0x3FB1]  }
0x2a: {  	p0 =	seq.s32 s5, $0x0;
	s5 =	sld [smem:$0x3FB2]  }
0x2b: {  	s6 =	sld [smem:$0x3FB3]  }
0x2c: {  	s7 =	sld [smem:$0x3FB4]  }
0x2d: {  	s3 =	simm.s32 $0x108;
	s8 =	sld [smem:$0x3FB5]  }
0x2e: {  	s3 =	simm.s32 @!p0 $0x1082;
	s9 =	sld [smem:$0x3FB6]  }
0x2f: {  	lr =	sadd.s32 s0, s3;
	s0 =	sld [smem:$0x3FAD]  }
0x30: {  	s3 =	sld [smem:$0x3FB0]  }
0x31: {  	[smem:$0x3FB9] =	sst s10  }
0x32: {  	s10 =	sld [smem:$0x3FB7];
	_ =	sdelay $0x3  }
0x33: {  	p0 =	seq.s32 s10, $0x1;
	s10 =	sld [smem:$0x3FB9];
	_ =	sdelay $0x3  }
0x34: {  	[smem:$0x3FB9] =	sst s10  }
0x35: {  	s10 =	sld [smem:$0x3FB8];
	_ =	sdelay $0x3  }
0x36: {  	p1 =	seq.s32 s10, $0x1;
	s10 =	sld [smem:$0x3FB9];
	_ =	sdelay $0x3  }
0x37: {  	[smem:$0x3FB9] =	sst s10  }
0x38: {  	s10 =	sld [smem:$0x3FBA]  }
0x39: {  	_ = 	snop;
	(pc) =	sbr.ind lr, $3  }
0x3a: {  	_ = 	snop  }
0x3b: {  	_ = 	snop  }
0x3c: {  	p2 =	seq.s32 s10, $0x1;
	s10 =	sld [smem:$0x3FB9]  }
0x3d: {  	_ =	shalt  }
0x3e: {  	_ =	shalt  }
0x3f: {  	_ =	shalt  }
0x40: {  	_ =	shalt  }
0x41: {  	_ =	shalt  }
0x42: {  	_ =	shalt  }
0x43: {  	_ =	shalt  }
0x44: {  	_ =	shalt  }
0x45: {  	_ =	shalt  }
0x46: {  	_ =	shalt  }
0x47: {  	_ =	shalt  }
0x48: {  	_ =	shalt  }
0x49: {  	_ =	shalt  }
0x4a: {  	_ =	shalt  }
0x4b: {  	_ =	shalt  }
0x4c: {  	_ =	shalt  }
0x4d: {  	_ =	shalt  }
0x4e: {  	_ =	shalt  }
0x4f: {  	_ =	shalt  }
0x50: {  	_ =	shalt  }
0x51: {  	_ =	shalt  }
0x52: {  	_ =	shalt  }
0x53: {  	_ =	shalt  }
0x54: {  	_ =	shalt  }
0x55: {  	_ =	shalt  }
0x56: {  	_ =	shalt  }
0x57: {  	_ =	shalt  }
0x58: {  	_ =	shalt  }
0x59: {  	_ =	shalt  }
0x5a: {  	_ =	shalt  }
0x5b: {  	_ =	shalt  }
0x5c: {  	_ =	shalt  }
0x5d: {  	_ =	shalt  }
0x5e: {  	_ =	shalt  }
0x5f: {  	_ =	shalt  }
0x60: {  	_ =	shalt  }
0x61: {  	_ =	shalt  }
0x62: {  	_ =	shalt  }
0x63: {  	_ =	shalt  }
0x64: {  	_ =	shalt  }
0x65: {  	_ =	shalt  }
0x66: {  	_ =	shalt  }
0x67: {  	_ =	shalt  }
0x68: {  	_ =	shalt  }
0x69: {  	_ =	shalt  }
0x6a: {  	_ =	shalt  }
0x6b: {  	_ =	shalt  }
0x6c: {  	_ =	shalt  }
0x6d: {  	_ =	shalt  }
0x6e: {  	_ =	shalt  }
0x6f: {  	_ =	shalt  }
0x70: {  	_ =	shalt  }
0x71: {  	_ =	shalt  }
0x72: {  	_ =	shalt  }
0x73: {  	_ =	shalt  }
0x74: {  	_ =	shalt  }
0x75: {  	_ =	shalt  }
0x76: {  	_ =	shalt  }
0x77: {  	_ =	shalt  }
0x78: {  	_ =	shalt  }
0x79: {  	_ =	shalt  }
0x7a: {  	_ =	shalt  }
0x7b: {  	_ =	shalt  }
0x7c: {  	_ =	shalt  }
0x7d: {  	_ =	shalt  }
0x7e: {  	_ =	shalt  }
0x7f: {  	_ =	shalt  }
0x80: {  	_ =	shalt  }
0x81: {  	_ =	shalt  }
0x82: {  	_ =	shalt  }
0x83: {  	_ =	shalt  }
0x84: {  	_ =	shalt  }
0x85: {  	_ =	shalt  }
0x86: {  	_ =	shalt  }
0x87: {  	_ =	shalt  }
.Lfunc_end0:
.L_simem_size_0:
called_computation_lowered:
.L_overlay_start_0:
0x88: {  	s2 =	sld [smem:$0x3FD9]  }
0x89: {  	s3 =	sld [smem:$0x3FFE];
	_ =	sdelay $0x1  }
0x8a: {  	s1 =	srdreg.scid  }
0x8b: {  	s0 =	sand.u32 $0x1, s1  }
0x8c: {  	s14 =	sshll.u32 s0, $0xA;
	s2 =	sadd.s32 s3, s2  }
0x8d: {  	s2 =	sadd.s32 s2, s14  }
0x8e: {  	[smem:$0x3FC5] =	sst s2  }
0x8f: {  	_ = 	snop  }
0x90: {  	s2 =	sld [smem:$0x3FD0];
	_ =	sdelay $0x2  }
0x91: {  	s15 =	simm.s32 $0xA;
	s4 =	simm.s32 $0x10  }
0x92: {  	[smem:s4], [sflag:s15] =	dma.local [hbm:s2], $0x1  }
0x93: {  	_ =	swait.eq [sflag:s15], $0x1  }
0x94: {  	[sflag:s15] =	ssyncset.done $0x0  }
0x95: {  	[sflag:s15] =	ssyncadd.s32 $0xFFFFFFFF  }
0x96: {  	s16 =	sld [smem:$0x11];
	(tm) =	ssettm $0x1  }
0x97: {  	s17 =	sld [smem:$0x3FFB];
	_ =	sdelay $0x3  }
0x98: {  	_ =	strace s17  }
0x99: {  	s3 =	sld [smem:$0x3FFC];
	_ =	sdelay $0x3  }
0x9a: {  	_ =	strace s3  }
0x9b: {  	s3 =	sld [smem:$0x3FFD];
	_ =	sdelay $0x3  }
0x9c: {  	_ =	strace s3  }
0x9d: {  	_ =	strace $0x8FFFFFFF  }
0x9e: {  	s18 =	sld [smem:$0x3FDB];
	_ =	sdelay $0x1  }
0x9f: {  	s19 =	simm.s32 $_scs_section_size  }
0xa0: {  	s5 =	simm.s32 $_size__tile_overlayer_lowered;
	s6 =	simm.s32 $_tile_overlayer_lowered  }
0xa1: {  	s22 =	simm.s32 $0x1BFF;
	s21 =	sshll.u32 s6, $0x1;
	s3 =	sadd.s32 s19, s18  }
0xa2: {  	s7 =	simm.s32 $0x0;
	s20 =	sshll.u32 s5, $0x1;
	s5 =	sadd.s32 s21, s3  }
0xa3: {  	[timem:s7], [sflag:s22] =	dma.local [hbm:s5], s20  }
0xa4: {  	_ =	swait.ge [sflag:s22], s20  }
0xa5: {  	s4 =	ssub.s32 $0x0, s20;
	[sflag:s22] =	ssyncset.done $0x0  }
0xa6: {  	[sflag:s22] =	ssyncadd.s32 s4;
	_ =	sdelay $0x1  }
0xa7: {  	s23 =	simm.s32 $0x1B8B  }
0xa8: {  	_ =	swait.ge [sflag:s23], $0x1  }
0xa9: {  	[sflag:s23] =	ssyncset.done $0x0  }
0xaa: {  	s25 =	simm.s32 $0x1B8E;
	s24 =	sld [smem:$0x3FFE];
	[sflag:s23] =	ssyncadd.s32 $0xFFFFFFFF  }
0xab: {  	s26 =	simm.s32 $execute0_lowered;
	[smem:$0x3FD2] =	sst s25  }
0xac: {  	s5 =	sshll.u32 s26, $0x1;
	_ =	strace $0x80000046;
	[dreg:$0x1] =	wrdreg $0xFFFFFFFF  }
0xad: {  	s28 =	simm.s32 $_size_execute0_lowered;
	s3 =	sadd.s32 s3, s5;
	[dreg:$0x0] =	wrdreg $0x0  }
0xae: {  	s5 =	sshll.u32 s28, $0x1;
	[dreg:$0x2] =	wrdreg s3  }
0xaf: {  	[dreg:$0x3] =	wrdreg s5  }
0xb0: {  	[dreg:$0x4] =	wrdreg $0xC0  }
0xb1: {  	_ =	task [dreg:s7], $0x5FFFF  }
0xb2: {  	[dreg:$0x1] =	wrdreg $0xFFFFFFFF  }
0xb3: {  	[dreg:$0x0] =	wrdreg $0x60  }
0xb4: {  	[dreg:$0x2] =	wrdreg s16  }
0xb5: {  	[dreg:$0x3] =	wrdreg s24  }
0xb6: {  	[dreg:$0x4] =	wrdreg $0x9  }
0xb7: {  	_ =	task.clear_ibuf [dreg:s7], $0x5FFFF;
	_ =	strace $0x90000046  }
0xb8: {  	s29 =	simm.s32 $0x9;
	_ =	strace $0x80000048  }
0xb9: {  	_ =	swait.ge [sflag:s29], $0x1  }
0xba: {  	[sflag:s29] =	ssyncadd.s32 $0xFFFFFFFF  }
0xbb: {  	_ =	strace $0x90000048  }
0xbc: {  	_ =	sfence  }
0xbd: {  	s30 =	sld [smem:$0x0];
	_ =	sdelay $0x2  }
0xbe: {  	s31 =	sshll.u32 s1, $0xD;
	s1 =	sshrl.u32 s1, $0x2  }
0xbf: {  	s3 =	sand.u32 $0x4000, s31;
	s1 =	sadd.s32 s1, s30  }
0xc0: {  	s0 =	sor.u32 s3, s0;
	s1 =	sshll.u32 s1, $0x11  }
0xc1: {  	s0 =	sor.u32 s1, s0  }
0xc2: {  	s0 =	sadd.s32 $0x8F2B, s0  }
0xc3: {  	[sflag:s0] =	ssyncadd.remote.s32 $0x1  }
0xc4: {  	_ =	sfence.sel $0xFFFF  }
0xc5: {  	[dreg:$0x0] =	wrdreg $0xFFFFFFFF;
	(pc) =	sbr.abs _section_cstart, $3  }
0xc6: {  	[dreg:$0x1] =	wrdreg $0xFFFFFFFF  }
0xc7: {  	_ =	task.clear_ibuf [dreg:s7], $0x2FFFF;
	_ =	strace $0x9FFFFFFF  }
0xc8: {  	(tm) =	ssettm $0x7FFFFFFF  }
0xc9: {  	_ =	shalt  }
tec
execute0_lowered:
.L_overlay_start_1:
0x0: {  	(tag) =	ssettag $0x1  }
0x1: {  	s4 =	rddreg [dreg:$0x0]  }
0x2: {  	s2 =	rddreg [dreg:$0x1];
	s3 =	srdreg.scid  }
0x3: {  	s1 =	stileid.u32;
	s0 =	rddreg [dreg:$0x2];
	s10 =	simm.s32 $0x400  }
0x4: {  	s11 =	simm.s32 $0x4000;
	s12 =	simm.s32 $0x5100;
	s13 =	simm.s32 $0x4100  }
0x5: {  	s14 =	simm.s32 $0x0;
	s5 =	sand.u32 $0x1, s3;
	s28 =	sshll.u32 s1, $0x8  }
0x6: {  	s6 =	sshrl.u32 s1, $0x2;
	s3 =	simm.s32 $0x0;
	s7 =	sshll.u32 s5, $0x7  }
0x7: {  	s8 =	sand.u32 $0x300, s28;
	s29 =	sshll.u32 s6, $0xD;
	[smem:$0x7FF] =	sst s3  }
0x8: {  	s9 =	sshll.u32 s6, $0xF;
	s6 =	sshll.u32 s6, $0xB;
	s5 =	ssub.s32 $0x2, s5  }
0x9: {  	s7 =	sor.u32 s7, s8;
	_ =	strace $0x80000047;
	s31 =	sshrl.u32 s5, $0x1  }
0xa: {  	s8 =	sor.u32 s29, s7;
	s9 =	sor.u32 s9, s7;
	s6 =	sor.u32 s6, s7  }
0xb: {  	s8 =	sshrl.u32 s8, $0x3;
	s9 =	sshrl.u32 s9, $0x3;
	s6 =	sshrl.u32 s6, $0x3  }
0xc: {  	s8 =	sadd.s32 s8, s2;
	s30 =	sadd.s32 s9, s2;
	s9 =	ssub.s32 s5, s31  }
0xd: {  	s4 =	sadd.s32 s4, s6;
	s5 =	sadd.s32 $0x800, s8;
	s6 =	sadd.s32 $0x1800, s30  }
0xe: {  	v0 =	vimm.s32 $0x7F807F80;
	s7 =	smax.u32 s9, $0x1;
	s8 =	simm.s32 $0x1;
	s9 =	simm.s32 $0x80  }
.LBB2_1:
0xf: {  	[tilespmem:s3], [sflag:$0x1] =	stream.linear.gather [hbm4b:s2+s3], $0x4000, $0x38;
	[tilespmem:$0x5500] =	vst v63  }
0x10: {  	_ =	swait.ge [sflag:s8], $0x4000  }
0x11: {  	[sflag:s8] =	ssyncset.done $0x0  }
0x12: {  	[sflag:s8] =	ssyncadd.s32 $0xFFFFC000  }
0x13: {  	[tilespmem:s11], [sflag:$0x1] =	stream.strided.gather [hbm4b:s4+s9], $0x100, s10, s9, $0x38;
	[tilespmem:$0x5500] =	vst v63  }
0x14: {  	_ =	swait.ge [sflag:s8], $0x100  }
0x15: {  	[sflag:s8] =	ssyncset.done $0x0  }
0x16: {  	s15 =	simm.s32 $0x40;
	s16 =	simm.s32 $0x0;
	[sflag:s8] =	ssyncadd.s32 $0xFFFFFF00  }
.LBB2_2:
0x17: {  	p0 =	sne.s32 s15, $0x3FC0;
	[tilespmem:s16+$0x4100] =	vst v0;
	s16 =	smov.u32 s15;
	s15 =	sadd.s32 $0x40, s15  }
.Ltmp0:
0x18: {  	(pc) =	sbr.rel @p0 .LBB2_2-.Ltmp0, $2  }
0x19: {  	_ =	sdelay $0x2  }
0x1a: {  	s16 =	sshra.s32 s16, $0x2  }
0x1b: {  	[tilespmem:s16+$0x4100] =	vst v0;
	s15 =	simm.s32 $0x0;
	s16 =	simm.s32 $0x0  }
.LBB2_4:
0x1c: {  	s17 =	smul.u32 $0xC0, s16;
	_ =	sdelay $0x1  }
0x1d: {  	s17 =	sshra.s32 s17, $0x2  }
0x1e: {  	v3 =	vld [tilespmem:s17+$0x4000];
	_ =	sdelay $0x3  }
0x1f: {  	s18 =	sand.u32 $0x70, s15;
	s19 =	sand.u32 $0x3E00, s15  }
0x20: {  	s31 =	sor.u32 s18, s19;
	v10 =	vbroadcast v3, $0x0;
	v8 =	vbroadcast v3, $0x1  }
0x21: {  	v22 =	vld [tilespmem:s31+$0x100];
	v14 =	vbroadcast v3, $0x2;
	v11 =	vbroadcast v3, $0x3  }
0x22: {  	v6 =	vimm.bf16 $+Inf;
	v21 =	vld [tilespmem:s31+$0x0];
	v9 =	vbroadcast v3, $0x4;
	v17 =	vbroadcast v3, $0x5  }
0x23: {  	v7 =	vimm.bf16 $+Inf;
	v20 =	vld [tilespmem:s31+$0x80];
	v15 =	vbroadcast v3, $0x6;
	v12 =	vbroadcast v3, $0x7  }
0x24: {  	v5 =	vimm.bf16 $+Inf;
	v2 =	vld [tilespmem:s17+$0x4010];
	v18 =	vbroadcast v3, $0x8;
	v16 =	vbroadcast v3, $0x9  }
0x25: {  	v4 =	vimm.bf16 $+Inf;
	s18 =	simm.s32 $0x10;
	v1 =	vld [tilespmem:s17+$0x4020];
	s17 =	simm.s32 $0x0;
	v13 =	vbroadcast v3, $0xA;
	v19 =	vbroadcast v3, $0xB  }
.LBB2_5:
0x26: {  	p0 =	sne.s32 s18, $0xFF0;
	v23 =	vsub.bf16 v22, v14  }
0x27: {  	v24 =	vsub.bf16 v22, v17;
	v25 =	vsub.bf16 v22, v18  }
0x28: {  	v22 =	vsub.bf16 v22, v19;
	v26 =	vsub.bf16 v21, v10;
	v23 =	vand.u32 $0x7FFF7FFF, v23  }
0x29: {  	v27 =	vsub.bf16 v21, v11;
	v24 =	vand.u32 $0x7FFF7FFF, v24;
	v28 =	vsub.bf16 v21, v15  }
0x2a: {  	v21 =	vsub.bf16 v21, v16;
	v26 =	vand.u32 $0x7FFF7FFF, v26;
	v29 =	vsub.bf16 v20, v8  }
0x2b: {  	v27 =	vand.u32 $0x7FFF7FFF, v27;
	v30 =	vsub.bf16 v20, v9;
	v31 =	vsub.bf16 v20, v12  }
0x2c: {  	v28 =	vand.u32 $0x7FFF7FFF, v28;
	v21 =	vand.u32 $0x7FFF7FFF, v21;
	v20 =	vsub.bf16 v20, v13  }
0x2d: {  	v29 =	vand.u32 $0x7FFF7FFF, v29;
	v30 =	vand.u32 $0x7FFF7FFF, v30;
	v31 =	vand.u32 $0x7FFF7FFF, v31  }
0x2e: {  	v20 =	vand.u32 $0x7FFF7FFF, v20;
	v26 =	vadd.bf16 v29, v26;
	v27 =	vadd.bf16 v30, v27  }
0x2f: {  	s19 =	sshra.s32 s17, $0x2;
	v25 =	vand.u32 $0x7FFF7FFF, v25;
	v28 =	vadd.bf16 v31, v28;
	v20 =	vadd.bf16 v20, v21  }
0x30: {  	v22 =	vand.u32 $0x7FFF7FFF, v22;
	v21 =	vadd.bf16 v23, v26;
	v23 =	vadd.bf16 v24, v27;
	v24 =	vld [tilespmem:s19+$0x4100]  }
0x31: {  	v25 =	vadd.bf16 v25, v28;
	v20 =	vadd.bf16 v22, v20  }
0x32: {  	v6 =	vmin.bf16 v6, v21;
	v7 =	vmin.bf16 v7, v23  }
0x33: {  	v5 =	vmin.bf16 v5, v25;
	v21 =	vmin.bf16 v21, v23;
	v22 =	vmin.bf16 v25, v20  }
0x34: {  	s17 =	sadd.s32 $0x40, s17;
	v4 =	vmin.bf16 v4, v20;
	v20 =	vmin.bf16 v21, v22  }
0x35: {  	s20 =	sand.u32 $0x70, s18;
	s21 =	sand.u32 $0x3E00, s17;
	v20 =	vmin.bf16 v24, v20  }
0x36: {  	s20 =	sor.u32 s20, s21;
	[tilespmem:s19+$0x4100] =	vst v20  }
.Ltmp1:
0x37: {  	v22 =	vld [tilespmem:s20+$0x100];
	(pc) =	sbr.rel @p0 .LBB2_5-.Ltmp1, $3  }
0x38: {  	_ = 	snop  }
0x39: {  	v21 =	vld [tilespmem:s20+$0x0];
	_ =	sdelay $0x1  }
0x3a: {  	s18 =	sadd.s32 $0x10, s18;
	v20 =	vld [tilespmem:s20+$0x80]  }
0x3b: {  	v14 =	vsub.bf16 v22, v14  }
0x3c: {  	v17 =	vsub.bf16 v22, v17;
	v18 =	vsub.bf16 v22, v18  }
0x3d: {  	v19 =	vsub.bf16 v22, v19;
	v10 =	vsub.bf16 v21, v10;
	v14 =	vand.u32 $0x7FFF7FFF, v14  }
0x3e: {  	v11 =	vsub.bf16 v21, v11;
	v17 =	vand.u32 $0x7FFF7FFF, v17;
	v15 =	vsub.bf16 v21, v15  }
0x3f: {  	v16 =	vsub.bf16 v21, v16;
	v10 =	vand.u32 $0x7FFF7FFF, v10;
	v8 =	vsub.bf16 v20, v8  }
0x40: {  	v11 =	vand.u32 $0x7FFF7FFF, v11;
	v9 =	vsub.bf16 v20, v9;
	v12 =	vsub.bf16 v20, v12  }
0x41: {  	v15 =	vand.u32 $0x7FFF7FFF, v15;
	v16 =	vand.u32 $0x7FFF7FFF, v16;
	v13 =	vsub.bf16 v20, v13  }
0x42: {  	v8 =	vand.u32 $0x7FFF7FFF, v8;
	v9 =	vand.u32 $0x7FFF7FFF, v9;
	v12 =	vand.u32 $0x7FFF7FFF, v12  }
0x43: {  	v8 =	vadd.bf16 v8, v10;
	v9 =	vadd.bf16 v9, v11;
	v10 =	vand.u32 $0x7FFF7FFF, v13  }
0x44: {  	s17 =	sshra.s32 s17, $0x2;
	v11 =	vadd.bf16 v12, v15;
	v12 =	vand.u32 $0x7FFF7FFF, v18;
	v10 =	vadd.bf16 v10, v16  }
0x45: {  	v13 =	vand.u32 $0x7FFF7FFF, v19;
	v8 =	vadd.bf16 v14, v8;
	v9 =	vadd.bf16 v17, v9;
	v14 =	vld [tilespmem:s17+$0x4100]  }
0x46: {  	v11 =	vadd.bf16 v12, v11;
	v12 =	vadd.bf16 v13, v10;
	_ =	sdelay $0x1  }
0x47: {  	v10 =	vmin.bf16 v8, v9;
	v13 =	vmin.bf16 v11, v12  }
0x48: {  	v10 =	vmin.bf16 v10, v13  }
0x49: {  	s18 =	sshll.u32 s16, $0x8;
	v10 =	vmin.bf16 v14, v10  }
0x4a: {  	v6 =	vmin.bf16 v6, v8;
	[tilespmem:s17+$0x4100] =	vst v10;
	s17 =	sand.u32 $0x3FFFFF00, s18  }
0x4b: {  	v8 =	vmin.bf16 v7, v9;
	[tilespmem:s17+$0x5100] =	vst v6  }
0x4c: {  	v9 =	vbroadcast v3, $0xC;
	v7 =	vbroadcast v3, $0xD;
	v5 =	vmin.bf16 v5, v11;
	s18 =	simm.s32 $0x0;
	[tilespmem:s17+$0x5110] =	vst v8  }
0x4d: {  	v13 =	vbroadcast v3, $0xE;
	v10 =	vbroadcast v3, $0xF;
	v3 =	vmin.bf16 v4, v12;
	[tilespmem:s17+$0x5120] =	vst v5;
	s19 =	sand.u32 $0x70, s18;
	s20 =	sand.u32 $0x3E00, s18  }
0x4e: {  	[tilespmem:s17+$0x5130] =	vst v3;
	s19 =	sor.u32 s19, s20  }
0x4f: {  	v15 =	vbroadcast v2, $0x5;
	v18 =	vbroadcast v2, $0x7;
	v21 =	vld [tilespmem:s19+$0x100]  }
0x50: {  	v16 =	vbroadcast v2, $0x1;
	v17 =	vbroadcast v2, $0x4  }
0x51: {  	v11 =	vbroadcast v2, $0x3;
	v14 =	vbroadcast v2, $0x2;
	v20 =	vld [tilespmem:s19+$0x0]  }
0x52: {  	v12 =	vbroadcast v2, $0x6;
	v4 =	vimm.bf16 $+Inf;
	v8 =	vbroadcast v2, $0x0  }
0x53: {  	v5 =	vimm.bf16 $+Inf;
	v6 =	vimm.bf16 $+Inf;
	v3 =	vimm.bf16 $+Inf;
	v19 =	vld [tilespmem:s19+$0x80];
	s19 =	simm.s32 $0x10  }
.LBB2_7:
0x54: {  	p0 =	sne.s32 s19, $0xFF0;
	v22 =	vsub.bf16 v21, v13  }
0x55: {  	v23 =	vsub.bf16 v21, v16;
	v24 =	vsub.bf16 v21, v17  }
0x56: {  	v21 =	vsub.bf16 v21, v18;
	v25 =	vsub.bf16 v20, v9;
	v22 =	vand.u32 $0x7FFF7FFF, v22  }
0x57: {  	v26 =	vsub.bf16 v20, v10;
	v23 =	vand.u32 $0x7FFF7FFF, v23;
	v27 =	vsub.bf16 v20, v14  }
0x58: {  	v20 =	vsub.bf16 v20, v15;
	v25 =	vand.u32 $0x7FFF7FFF, v25;
	v28 =	vsub.bf16 v19, v7  }
0x59: {  	v26 =	vand.u32 $0x7FFF7FFF, v26;
	v29 =	vsub.bf16 v19, v8;
	v30 =	vsub.bf16 v19, v11  }
0x5a: {  	v27 =	vand.u32 $0x7FFF7FFF, v27;
	v20 =	vand.u32 $0x7FFF7FFF, v20;
	v19 =	vsub.bf16 v19, v12  }
0x5b: {  	v28 =	vand.u32 $0x7FFF7FFF, v28;
	v29 =	vand.u32 $0x7FFF7FFF, v29;
	v30 =	vand.u32 $0x7FFF7FFF, v30  }
0x5c: {  	v19 =	vand.u32 $0x7FFF7FFF, v19;
	v25 =	vadd.bf16 v28, v25;
	v26 =	vadd.bf16 v29, v26  }
0x5d: {  	s20 =	sshra.s32 s18, $0x2;
	v24 =	vand.u32 $0x7FFF7FFF, v24;
	v27 =	vadd.bf16 v30, v27;
	v19 =	vadd.bf16 v19, v20  }
0x5e: {  	v21 =	vand.u32 $0x7FFF7FFF, v21;
	v20 =	vadd.bf16 v22, v25;
	v22 =	vadd.bf16 v23, v26;
	v23 =	vld [tilespmem:s20+$0x4100]  }
0x5f: {  	v24 =	vadd.bf16 v24, v27;
	v19 =	vadd.bf16 v21, v19  }
0x60: {  	v5 =	vmin.bf16 v5, v20;
	v6 =	vmin.bf16 v6, v22  }
0x61: {  	v4 =	vmin.bf16 v4, v24;
	v20 =	vmin.bf16 v20, v22;
	v21 =	vmin.bf16 v24, v19  }
0x62: {  	s18 =	sadd.s32 $0x40, s18;
	v3 =	vmin.bf16 v3, v19;
	v19 =	vmin.bf16 v20, v21  }
0x63: {  	s21 =	sand.u32 $0x70, s19;
	s22 =	sand.u32 $0x3E00, s18;
	v19 =	vmin.bf16 v23, v19  }
0x64: {  	s21 =	sor.u32 s21, s22;
	[tilespmem:s20+$0x4100] =	vst v19  }
.Ltmp2:
0x65: {  	v21 =	vld [tilespmem:s21+$0x100];
	(pc) =	sbr.rel @p0 .LBB2_7-.Ltmp2, $3  }
0x66: {  	_ = 	snop  }
0x67: {  	v20 =	vld [tilespmem:s21+$0x0];
	_ =	sdelay $0x1  }
0x68: {  	s19 =	sadd.s32 $0x10, s19;
	v19 =	vld [tilespmem:s21+$0x80]  }
0x69: {  	v13 =	vsub.bf16 v21, v13  }
0x6a: {  	v16 =	vsub.bf16 v21, v16;
	v17 =	vsub.bf16 v21, v17  }
0x6b: {  	v18 =	vsub.bf16 v21, v18;
	v9 =	vsub.bf16 v20, v9;
	v13 =	vand.u32 $0x7FFF7FFF, v13  }
0x6c: {  	v10 =	vsub.bf16 v20, v10;
	v16 =	vand.u32 $0x7FFF7FFF, v16;
	v14 =	vsub.bf16 v20, v14  }
0x6d: {  	v15 =	vsub.bf16 v20, v15;
	v9 =	vand.u32 $0x7FFF7FFF, v9;
	v7 =	vsub.bf16 v19, v7  }
0x6e: {  	v10 =	vand.u32 $0x7FFF7FFF, v10;
	v8 =	vsub.bf16 v19, v8;
	v11 =	vsub.bf16 v19, v11  }
0x6f: {  	v14 =	vand.u32 $0x7FFF7FFF, v14;
	v15 =	vand.u32 $0x7FFF7FFF, v15;
	v12 =	vsub.bf16 v19, v12  }
0x70: {  	v7 =	vand.u32 $0x7FFF7FFF, v7;
	v8 =	vand.u32 $0x7FFF7FFF, v8;
	v11 =	vand.u32 $0x7FFF7FFF, v11  }
0x71: {  	v7 =	vadd.bf16 v7, v9;
	v8 =	vadd.bf16 v8, v10;
	v9 =	vand.u32 $0x7FFF7FFF, v12  }
0x72: {  	s18 =	sshra.s32 s18, $0x2;
	v10 =	vadd.bf16 v11, v14;
	v11 =	vand.u32 $0x7FFF7FFF, v17;
	v9 =	vadd.bf16 v9, v15  }
0x73: {  	v12 =	vand.u32 $0x7FFF7FFF, v18;
	v7 =	vadd.bf16 v13, v7;
	v8 =	vadd.bf16 v16, v8;
	v13 =	vld [tilespmem:s18+$0x4100]  }
0x74: {  	v10 =	vadd.bf16 v11, v10;
	v11 =	vadd.bf16 v12, v9;
	_ =	sdelay $0x1  }
0x75: {  	v9 =	vmin.bf16 v7, v8;
	v12 =	vmin.bf16 v10, v11  }
0x76: {  	v9 =	vmin.bf16 v9, v12  }
0x77: {  	v9 =	vmin.bf16 v13, v9  }
0x78: {  	v5 =	vmin.bf16 v5, v7;
	[tilespmem:s18+$0x4100] =	vst v9  }
0x79: {  	v7 =	vmin.bf16 v6, v8;
	[tilespmem:s17+$0x5140] =	vst v5  }
0x7a: {  	v4 =	vmin.bf16 v4, v10;
	s18 =	simm.s32 $0x0;
	[tilespmem:s17+$0x5150] =	vst v7  }
0x7b: {  	v14 =	vbroadcast v1, $0x1;
	v17 =	vbroadcast v1, $0x3;
	v3 =	vmin.bf16 v3, v11;
	[tilespmem:s17+$0x5160] =	vst v4;
	s19 =	sand.u32 $0x70, s18;
	s20 =	sand.u32 $0x3E00, s18  }
0x7c: {  	v15 =	vbroadcast v2, $0xD;
	v16 =	vbroadcast v1, $0x0;
	[tilespmem:s17+$0x5170] =	vst v3;
	s19 =	sor.u32 s19, s20  }
0x7d: {  	v8 =	vbroadcast v2, $0x8;
	v6 =	vbroadcast v2, $0x9;
	v20 =	vld [tilespmem:s19+$0x100]  }
0x7e: {  	v10 =	vbroadcast v2, $0xF;
	v11 =	vbroadcast v1, $0x2  }
0x7f: {  	v12 =	vbroadcast v2, $0xA;
	v13 =	vbroadcast v2, $0xE;
	v19 =	vld [tilespmem:s19+$0x0]  }
0x80: {  	v9 =	vbroadcast v2, $0xB;
	v7 =	vbroadcast v2, $0xC;
	v4 =	vimm.bf16 $+Inf  }
0x81: {  	v5 =	vimm.bf16 $+Inf;
	v3 =	vimm.bf16 $+Inf;
	v2 =	vimm.bf16 $+Inf;
	v18 =	vld [tilespmem:s19+$0x80];
	s19 =	simm.s32 $0x10  }
.LBB2_9:
0x82: {  	p0 =	sne.s32 s19, $0xFF0;
	v21 =	vsub.bf16 v20, v12  }
0x83: {  	v22 =	vsub.bf16 v20, v15;
	v23 =	vsub.bf16 v20, v16  }
0x84: {  	v20 =	vsub.bf16 v20, v17;
	v24 =	vsub.bf16 v19, v8;
	v21 =	vand.u32 $0x7FFF7FFF, v21  }
0x85: {  	v25 =	vsub.bf16 v19, v9;
	v22 =	vand.u32 $0x7FFF7FFF, v22;
	v26 =	vsub.bf16 v19, v13  }
0x86: {  	v19 =	vsub.bf16 v19, v14;
	v24 =	vand.u32 $0x7FFF7FFF, v24;
	v27 =	vsub.bf16 v18, v6  }
0x87: {  	v25 =	vand.u32 $0x7FFF7FFF, v25;
	v28 =	vsub.bf16 v18, v7;
	v29 =	vsub.bf16 v18, v10  }
0x88: {  	v26 =	vand.u32 $0x7FFF7FFF, v26;
	v19 =	vand.u32 $0x7FFF7FFF, v19;
	v18 =	vsub.bf16 v18, v11  }
0x89: {  	v27 =	vand.u32 $0x7FFF7FFF, v27;
	v28 =	vand.u32 $0x7FFF7FFF, v28;
	v29 =	vand.u32 $0x7FFF7FFF, v29  }
0x8a: {  	v18 =	vand.u32 $0x7FFF7FFF, v18;
	v24 =	vadd.bf16 v27, v24;
	v25 =	vadd.bf16 v28, v25  }
0x8b: {  	s20 =	sshra.s32 s18, $0x2;
	v23 =	vand.u32 $0x7FFF7FFF, v23;
	v26 =	vadd.bf16 v29, v26;
	v18 =	vadd.bf16 v18, v19  }
0x8c: {  	v20 =	vand.u32 $0x7FFF7FFF, v20;
	v19 =	vadd.bf16 v21, v24;
	v21 =	vadd.bf16 v22, v25;
	v22 =	vld [tilespmem:s20+$0x4100]  }
0x8d: {  	v23 =	vadd.bf16 v23, v26;
	v18 =	vadd.bf16 v20, v18  }
0x8e: {  	v4 =	vmin.bf16 v4, v19;
	v5 =	vmin.bf16 v5, v21  }
0x8f: {  	v3 =	vmin.bf16 v3, v23;
	v19 =	vmin.bf16 v19, v21;
	v20 =	vmin.bf16 v23, v18  }
0x90: {  	s18 =	sadd.s32 $0x40, s18;
	v2 =	vmin.bf16 v2, v18;
	v18 =	vmin.bf16 v19, v20  }
0x91: {  	s21 =	sand.u32 $0x70, s19;
	s22 =	sand.u32 $0x3E00, s18;
	v18 =	vmin.bf16 v22, v18  }
0x92: {  	s21 =	sor.u32 s21, s22;
	[tilespmem:s20+$0x4100] =	vst v18  }
.Ltmp3:
0x93: {  	v20 =	vld [tilespmem:s21+$0x100];
	(pc) =	sbr.rel @p0 .LBB2_9-.Ltmp3, $3  }
0x94: {  	_ = 	snop  }
0x95: {  	v19 =	vld [tilespmem:s21+$0x0];
	_ =	sdelay $0x1  }
0x96: {  	s19 =	sadd.s32 $0x10, s19;
	v18 =	vld [tilespmem:s21+$0x80]  }
0x97: {  	v12 =	vsub.bf16 v20, v12  }
0x98: {  	v15 =	vsub.bf16 v20, v15;
	v16 =	vsub.bf16 v20, v16  }
0x99: {  	v17 =	vsub.bf16 v20, v17;
	v8 =	vsub.bf16 v19, v8;
	v12 =	vand.u32 $0x7FFF7FFF, v12  }
0x9a: {  	v9 =	vsub.bf16 v19, v9;
	v15 =	vand.u32 $0x7FFF7FFF, v15;
	v13 =	vsub.bf16 v19, v13  }
0x9b: {  	v14 =	vsub.bf16 v19, v14;
	v8 =	vand.u32 $0x7FFF7FFF, v8;
	v6 =	vsub.bf16 v18, v6  }
0x9c: {  	v9 =	vand.u32 $0x7FFF7FFF, v9;
	v7 =	vsub.bf16 v18, v7;
	v10 =	vsub.bf16 v18, v10  }
0x9d: {  	v13 =	vand.u32 $0x7FFF7FFF, v13;
	v14 =	vand.u32 $0x7FFF7FFF, v14;
	v11 =	vsub.bf16 v18, v11  }
0x9e: {  	v6 =	vand.u32 $0x7FFF7FFF, v6;
	v7 =	vand.u32 $0x7FFF7FFF, v7;
	v10 =	vand.u32 $0x7FFF7FFF, v10  }
0x9f: {  	v6 =	vadd.bf16 v6, v8;
	v7 =	vadd.bf16 v7, v9;
	v8 =	vand.u32 $0x7FFF7FFF, v11  }
0xa0: {  	s18 =	sshra.s32 s18, $0x2;
	v9 =	vadd.bf16 v10, v13;
	v10 =	vand.u32 $0x7FFF7FFF, v16;
	v8 =	vadd.bf16 v8, v14  }
0xa1: {  	v11 =	vand.u32 $0x7FFF7FFF, v17;
	v6 =	vadd.bf16 v12, v6;
	v7 =	vadd.bf16 v15, v7;
	v12 =	vld [tilespmem:s18+$0x4100]  }
0xa2: {  	v9 =	vadd.bf16 v10, v9;
	v10 =	vadd.bf16 v11, v8;
	_ =	sdelay $0x1  }
0xa3: {  	v8 =	vmin.bf16 v6, v7;
	v11 =	vmin.bf16 v9, v10  }
0xa4: {  	v8 =	vmin.bf16 v8, v11  }
0xa5: {  	v8 =	vmin.bf16 v12, v8  }
0xa6: {  	v4 =	vmin.bf16 v4, v6;
	[tilespmem:s18+$0x4100] =	vst v8  }
0xa7: {  	v6 =	vmin.bf16 v5, v7;
	[tilespmem:s17+$0x5180] =	vst v4  }
0xa8: {  	v3 =	vmin.bf16 v3, v9;
	s18 =	simm.s32 $0x0;
	[tilespmem:s17+$0x5190] =	vst v6  }
0xa9: {  	v13 =	vbroadcast v1, $0xD;
	v16 =	vbroadcast v1, $0xF;
	v2 =	vmin.bf16 v2, v10;
	[tilespmem:s17+$0x51A0] =	vst v3;
	s19 =	sand.u32 $0x70, s18;
	s20 =	sand.u32 $0x3E00, s18  }
0xaa: {  	v14 =	vbroadcast v1, $0x9;
	v15 =	vbroadcast v1, $0xC;
	[tilespmem:s17+$0x51B0] =	vst v2;
	s19 =	sor.u32 s19, s20  }
0xab: {  	v7 =	vbroadcast v1, $0x4;
	v5 =	vbroadcast v1, $0x5;
	v19 =	vld [tilespmem:s19+$0x100]  }
0xac: {  	v9 =	vbroadcast v1, $0xB;
	v10 =	vbroadcast v1, $0xE  }
0xad: {  	v11 =	vbroadcast v1, $0x6;
	v12 =	vbroadcast v1, $0xA;
	v18 =	vld [tilespmem:s19+$0x0]  }
0xae: {  	v8 =	vbroadcast v1, $0x7;
	v6 =	vbroadcast v1, $0x8;
	v2 =	vimm.bf16 $+Inf  }
0xaf: {  	v4 =	vimm.bf16 $+Inf;
	v3 =	vimm.bf16 $+Inf;
	v1 =	vimm.bf16 $+Inf;
	v17 =	vld [tilespmem:s19+$0x80];
	s19 =	simm.s32 $0x10  }
.LBB2_11:
0xb0: {  	p0 =	sne.s32 s19, $0xFF0;
	v20 =	vsub.bf16 v19, v11  }
0xb1: {  	v21 =	vsub.bf16 v19, v14;
	v22 =	vsub.bf16 v19, v15  }
0xb2: {  	v19 =	vsub.bf16 v19, v16;
	v23 =	vsub.bf16 v18, v7;
	v20 =	vand.u32 $0x7FFF7FFF, v20  }
0xb3: {  	v24 =	vsub.bf16 v18, v8;
	v21 =	vand.u32 $0x7FFF7FFF, v21;
	v25 =	vsub.bf16 v18, v12  }
0xb4: {  	v18 =	vsub.bf16 v18, v13;
	v23 =	vand.u32 $0x7FFF7FFF, v23;
	v26 =	vsub.bf16 v17, v5  }
0xb5: {  	v24 =	vand.u32 $0x7FFF7FFF, v24;
	v27 =	vsub.bf16 v17, v6;
	v28 =	vsub.bf16 v17, v9  }
0xb6: {  	v25 =	vand.u32 $0x7FFF7FFF, v25;
	v18 =	vand.u32 $0x7FFF7FFF, v18;
	v17 =	vsub.bf16 v17, v10  }
0xb7: {  	v26 =	vand.u32 $0x7FFF7FFF, v26;
	v27 =	vand.u32 $0x7FFF7FFF, v27;
	v28 =	vand.u32 $0x7FFF7FFF, v28  }
0xb8: {  	v17 =	vand.u32 $0x7FFF7FFF, v17;
	v23 =	vadd.bf16 v26, v23;
	v24 =	vadd.bf16 v27, v24  }
0xb9: {  	s20 =	sshra.s32 s18, $0x2;
	v22 =	vand.u32 $0x7FFF7FFF, v22;
	v25 =	vadd.bf16 v28, v25;
	v17 =	vadd.bf16 v17, v18  }
0xba: {  	v19 =	vand.u32 $0x7FFF7FFF, v19;
	v18 =	vadd.bf16 v20, v23;
	v20 =	vadd.bf16 v21, v24;
	v21 =	vld [tilespmem:s20+$0x4100]  }
0xbb: {  	v22 =	vadd.bf16 v22, v25;
	v17 =	vadd.bf16 v19, v17  }
0xbc: {  	v2 =	vmin.bf16 v2, v18;
	v4 =	vmin.bf16 v4, v20  }
0xbd: {  	v3 =	vmin.bf16 v3, v22;
	v18 =	vmin.bf16 v18, v20;
	v19 =	vmin.bf16 v22, v17  }
0xbe: {  	s18 =	sadd.s32 $0x40, s18;
	v1 =	vmin.bf16 v1, v17;
	v17 =	vmin.bf16 v18, v19  }
0xbf: {  	s21 =	sand.u32 $0x70, s19;
	s22 =	sand.u32 $0x3E00, s18;
	v17 =	vmin.bf16 v21, v17  }
0xc0: {  	s21 =	sor.u32 s21, s22;
	[tilespmem:s20+$0x4100] =	vst v17  }
.Ltmp4:
0xc1: {  	v19 =	vld [tilespmem:s21+$0x100];
	(pc) =	sbr.rel @p0 .LBB2_11-.Ltmp4, $3  }
0xc2: {  	_ = 	snop  }
0xc3: {  	v18 =	vld [tilespmem:s21+$0x0];
	_ =	sdelay $0x1  }
0xc4: {  	s19 =	sadd.s32 $0x10, s19;
	v17 =	vld [tilespmem:s21+$0x80]  }
0xc5: {  	v11 =	vsub.bf16 v19, v11  }
0xc6: {  	v14 =	vsub.bf16 v19, v14;
	v15 =	vsub.bf16 v19, v15  }
0xc7: {  	v16 =	vsub.bf16 v19, v16;
	v7 =	vsub.bf16 v18, v7;
	v11 =	vand.u32 $0x7FFF7FFF, v11  }
0xc8: {  	v8 =	vsub.bf16 v18, v8;
	v14 =	vand.u32 $0x7FFF7FFF, v14;
	v12 =	vsub.bf16 v18, v12  }
0xc9: {  	v13 =	vsub.bf16 v18, v13;
	v7 =	vand.u32 $0x7FFF7FFF, v7;
	v5 =	vsub.bf16 v17, v5  }
0xca: {  	v8 =	vand.u32 $0x7FFF7FFF, v8;
	v6 =	vsub.bf16 v17, v6;
	v9 =	vsub.bf16 v17, v9  }
0xcb: {  	v12 =	vand.u32 $0x7FFF7FFF, v12;
	v13 =	vand.u32 $0x7FFF7FFF, v13;
	v10 =	vsub.bf16 v17, v10  }
0xcc: {  	v5 =	vand.u32 $0x7FFF7FFF, v5;
	v6 =	vand.u32 $0x7FFF7FFF, v6;
	v9 =	vand.u32 $0x7FFF7FFF, v9  }
0xcd: {  	v58 =	vand.u32 $0x7FFF7FFF, v10;
	v5 =	vadd.bf16 v5, v7;
	v6 =	vadd.bf16 v6, v8  }
0xce: {  	s18 =	sshra.s32 s18, $0x2;
	v60 =	vand.u32 $0x7FFF7FFF, v15;
	v59 =	vadd.bf16 v9, v12;
	v7 =	vadd.bf16 v58, v13  }
0xcf: {  	v62 =	vld [tilespmem:s18+$0x4100];
	v61 =	vand.u32 $0x7FFF7FFF, v16;
	v5 =	vadd.bf16 v11, v5;
	v6 =	vadd.bf16 v14, v6  }
0xd0: {  	v8 =	vadd.bf16 v60, v59;
	v7 =	vadd.bf16 v61, v7;
	_ =	sdelay $0x1  }
0xd1: {  	v63 =	vmin.bf16 v5, v6;
	v10 =	vmin.bf16 v8, v7  }
0xd2: {  	s16 =	sadd.s32 $0x1, s16;
	v9 =	vmin.bf16 v63, v10  }
0xd3: {  	p0 =	sne.s32 s16, $0x4;
	v9 =	vmin.bf16 v62, v9  }
.Ltmp5:
0xd4: {  	v2 =	vmin.bf16 v2, v5;
	[tilespmem:s18+$0x4100] =	vst v9;
	(pc) =	sbr.rel @p0 .LBB2_4-.Ltmp5, $4  }
0xd5: {  	v4 =	vmin.bf16 v4, v6;
	[tilespmem:s17+$0x51C0] =	vst v2  }
0xd6: {  	v1 =	vmin.bf16 v1, v7;
	[tilespmem:s17+$0x51D0] =	vst v4  }
0xd7: {  	v2 =	vmin.bf16 v3, v8;
	[tilespmem:s17+$0x51F0] =	vst v1  }
0xd8: {  	[tilespmem:s17+$0x51E0] =	vst v2  }
0xd9: {  	[hbm4b:s5+s9] =	stream.strided.scatter [tilespmem:s12], [sflag:$0x1], $0x400, s10, s9, $0x38;
	[tilespmem:$0x5500] =	vst v63  }
0xda: {  	s14 =	sadd.s32 $0x1, s14;
	_ =	swait.ge [sflag:s8], $0x400  }
0xdb: {  	p0 =	sne.s32 s14, s7;
	[sflag:s8] =	ssyncset.done $0x0  }
.Ltmp6:
0xdc: {  	[sflag:s8] =	ssyncadd.s32 $0xFFFFFC00;
	(pc) =	sbr.rel @p0 .LBB2_1-.Ltmp6, $4  }
0xdd: {  	[hbm4b:s6+s9] =	stream.strided.scatter [tilespmem:s13], [sflag:$0x1], $0x1000, s10, s9, $0x38;
	[tilespmem:$0x5500] =	vst v63  }
0xde: {  	_ =	swait.ge [sflag:s8], $0x1000  }
0xdf: {  	[sflag:s8] =	ssyncset.done $0x0  }
0xe0: {  	[sflag:s8] =	ssyncadd.s32 $0xFFFFF000  }
0xe1: {  	_ =	sfence.sel $0x180000  }
0xe2: {  	[bflag:$0x0] =	sbarrier.arrive $0xFFFF  }
0xe3: {  	p0 =	sne.s32 s1, $0x0;
	_ =	strace $0x90000047  }
0xe4: {  	s0 =	sadd.s32 @!p0 $0x100000, s0;
	[bflag:$0x2] =	sbarrier.arrive $0xFFFF  }
0xe5: {  	[sflag:s0] =	ssyncadd.tile.s32 @!p0 $0x1;
	_ =	shalt  }
.Lfunc_end2:
_tile_overlayer_lowered:
.L_overlay_start_2:
0xe6: {  	(tag) =	ssettag $0x2  }
0xe7: {  	s0 =	rddreg [dreg:$0x0];
	s2 =	stileid.u32  }
0xe8: {  	s1 =	rddreg [dreg:$0x1];
	p0 =	sne.s32 s2, $0x0  }
0xe9: {  	s3 =	rddreg [dreg:$0x2];
	[bflag:$0x3] =	sbarrier.arrive $0xFFFF;
	s2 =	simm.s32 @!p0 $0x1C01  }
0xea: {  	[timem:s3], [sflag:s2] =	dma.local @!p0 [hbm:s0], s1  }
0xeb: {  	s0 =	simm.s32 @!p0 $0x1  }
0xec: {  	_ =	swait.ge @!p0 [sflag:s0], s1  }
0xed: {  	s1 =	ssub.s32 @!p0 $0x0, s1;
	[sflag:s0] =	ssyncset.done @!p0 $0x0  }
0xee: {  	[sflag:s0] =	ssyncadd.s32 @!p0 s1  }
0xef: {  	[bflag:$0x3] =	sbarrier.arrive $0xFFFF  }
0xf0: {  	_ =	shalt  }

</sc_bundles>
